<compile_context>
chip_gen: v7x
topology: tpu7x:2x2x1
jax: 0.10.2.dev20260603
libtpu: 0.0.44.dev20260713+nightly
codegen_flags: <defaults>
</compile_context>

<pallas_src>
import jax
import jax.numpy as jnp
from jax import lax
from jax.experimental import pallas as pl
from jax.experimental.pallas import tpu as pltpu
from jax.experimental.pallas import tpu_sc as plsc

N_USER = 10000
N_ITEM = 10000
E = 320000
D = 128
CNT_W = 8

NC, NS = 2, 16
NW = NC * NS
E_PER_W = E // NW
CHUNK = 88
NCHUNKP = 114
PAD_E = NCHUNKP * CHUNK - E_PER_W
NHALF = NCHUNKP // 2
DUMMY = N_USER
ACC_ROWS = N_USER + 16
RPT = 624
TAIL = N_USER - NS * RPT
TAIL0 = NS * RPT


def _sc_body(feat_user, feat_item, z_s, z_c, ones_h, src_f, dst_f, src_c, dst_c,
             src_b, dst_b,
             out_sf, out_cf, out_sc, out_cc, out_sb, out_cb,
             acc_s, acc_c, sidx, didx, rows0, rows1, ones, g0, g1, s0, s1):
    c = lax.axis_index("c")
    s = lax.axis_index("s")
    wid = c * NS + s
    row0 = pl.multiple_of(s * RPT, 8)

    pltpu.sync_copy(ones_h, ones)

    def run_relation(feat, src_r, dst_r, out_s, out_c):
        d1 = pltpu.async_copy(z_s, acc_s.at[pl.ds(row0, RPT)], g0)
        d2 = pltpu.async_copy(z_c, acc_c.at[pl.ds(row0, RPT)], g1)
        d3 = pltpu.async_copy(src_r.at[wid], sidx, s0)
        d4 = pltpu.async_copy(dst_r.at[wid], didx, s1)

        @pl.when(s == 0)
        def _zero_tail():
            pltpu.async_copy(
                z_s.at[pl.ds(0, TAIL)], acc_s.at[pl.ds(TAIL0, TAIL)], g0).wait()
            pltpu.async_copy(
                z_c.at[pl.ds(0, TAIL)], acc_c.at[pl.ds(TAIL0, TAIL)], g1).wait()

        d1.wait()
        d2.wait()
        d3.wait()
        d4.wait()
        plsc.subcore_barrier()

        def g_issue(buf, j, sem):
            pltpu.async_copy(feat.at[sidx.at[j]], buf, sem)

        def g_wait(buf, sem):
            pltpu.make_async_copy(feat.at[sidx.at[0]], buf, sem).wait()

        def s_issue(buf, j, sem):
            pltpu.async_copy(buf, acc_s.at[didx.at[j]], sem, add=True)
            pltpu.async_copy(ones, acc_c.at[didx.at[j]], sem, add=True)

        def s_wait(buf, sem):
            pltpu.make_async_copy(buf, acc_s.at[didx.at[0]], sem).wait()
            pltpu.make_async_copy(ones, acc_c.at[didx.at[0]], sem).wait()

        g_issue(rows0, 0, g0)
        g_issue(rows1, 1, g1)

        def step(i, carry):
            a = 2 * i
            g_wait(rows0, g0)
            s_issue(rows0, a, s0)
            g_wait(rows1, g1)
            s_issue(rows1, a + 1, s1)
            s_wait(rows0, s0)
            g_issue(rows0, a + 2, g0)
            s_wait(rows1, s1)
            g_issue(rows1, a + 3, g1)
            return carry

        lax.fori_loop(0, NHALF - 1, step, 0)
        g_wait(rows0, g0)
        s_issue(rows0, NCHUNKP - 2, s0)
        g_wait(rows1, g1)
        s_issue(rows1, NCHUNKP - 1, s1)
        s_wait(rows0, s0)
        s_wait(rows1, s1)

        plsc.subcore_barrier()
        o1 = pltpu.async_copy(acc_s.at[pl.ds(row0, RPT)],
                              out_s.at[c, pl.ds(row0, RPT)], g0)
        o2 = pltpu.async_copy(acc_c.at[pl.ds(row0, RPT)],
                              out_c.at[c, pl.ds(row0, RPT)], g1)

        @pl.when(s == 0)
        def _out_tail():
            pltpu.async_copy(acc_s.at[pl.ds(TAIL0, TAIL)],
                             out_s.at[c, pl.ds(TAIL0, TAIL)], s0).wait()
            pltpu.async_copy(acc_c.at[pl.ds(TAIL0, TAIL)],
                             out_c.at[c, pl.ds(TAIL0, TAIL)], s1).wait()

        o1.wait()
        o2.wait()
        plsc.subcore_barrier()

    run_relation(feat_user, src_f, dst_f, out_sf, out_cf)
    run_relation(feat_user, src_c, dst_c, out_sc, out_cc)
    run_relation(feat_item, src_b, dst_b, out_sb, out_cb)


_sc_agg = pl.kernel(
    _sc_body,
    out_type=[
        jax.ShapeDtypeStruct((NC, N_USER, D), jnp.float32),
        jax.ShapeDtypeStruct((NC, N_USER, CNT_W), jnp.float32),
        jax.ShapeDtypeStruct((NC, N_ITEM, D), jnp.float32),
        jax.ShapeDtypeStruct((NC, N_ITEM, CNT_W), jnp.float32),
        jax.ShapeDtypeStruct((NC, N_USER, D), jnp.float32),
        jax.ShapeDtypeStruct((NC, N_USER, CNT_W), jnp.float32),
    ],
    mesh=plsc.VectorSubcoreMesh(core_axis_name="c", subcore_axis_name="s"),
    compiler_params=pltpu.CompilerParams(use_tc_tiling_on_sc=False),
    scratch_types=[
        pltpu.VMEM_SHARED((ACC_ROWS, D), jnp.float32),
        pltpu.VMEM_SHARED((ACC_ROWS, CNT_W), jnp.float32),
        pltpu.VMEM((NCHUNKP, CHUNK), jnp.int32),
        pltpu.VMEM((NCHUNKP, CHUNK), jnp.int32),
        pltpu.VMEM((CHUNK, D), jnp.float32),
        pltpu.VMEM((CHUNK, D), jnp.float32),
        pltpu.VMEM((CHUNK, CNT_W), jnp.float32),
        pltpu.SemaphoreType.DMA,
        pltpu.SemaphoreType.DMA,
        pltpu.SemaphoreType.DMA,
        pltpu.SemaphoreType.DMA,
    ],
)

BR = 400
NBLK = N_USER // BR


def _tc_body(sf, cf, sb, cb, sc_r, cc, wf, bf, wb, bb, wc, bc, hu, hi):
    def rel(sref, cref, wref, bref):
        tot = sref[0] + sref[1]
        cnt = cref[0, :, 0:1] + cref[1, :, 0:1]
        mean = tot / jnp.maximum(cnt, 1.0)
        h = lax.dot_general(mean, wref[...], (((1,), (1,)), ((), ())),
                            preferred_element_type=jnp.float32,
                            precision=lax.Precision.HIGHEST) + bref[...]
        return jnp.where(cnt > 0, h, 0.0)

    hu[...] = rel(sf, cf, wf, bf) + rel(sb, cb, wb, bb)
    hi[...] = rel(sc_r, cc, wc, bc)


_sum_spec = pl.BlockSpec((NC, BR, D), lambda i: (0, i, 0))
_cnt_spec = pl.BlockSpec((NC, BR, CNT_W), lambda i: (0, i, 0))
_w_spec = pl.BlockSpec((D, D), lambda i: (0, 0))
_b_spec = pl.BlockSpec((1, D), lambda i: (0, 0))

_tc_finish = pl.pallas_call(
    _tc_body,
    grid=(NBLK,),
    in_specs=[_sum_spec, _cnt_spec, _sum_spec, _cnt_spec, _sum_spec, _cnt_spec,
              _w_spec, _b_spec, _w_spec, _b_spec, _w_spec, _b_spec],
    out_specs=[pl.BlockSpec((BR, D), lambda i: (i, 0)),
               pl.BlockSpec((BR, D), lambda i: (i, 0))],
    out_shape=[jax.ShapeDtypeStruct((N_USER, D), jnp.float32),
               jax.ShapeDtypeStruct((N_ITEM, D), jnp.float32)],
)


def kernel(feat_user, feat_item, W_follows, b_follows, W_clicks, b_clicks,
           W_bought, b_bought, edge_index_follows, edge_index_clicks,
           edge_index_bought):
    def split_edges(ei):
        src = ei[0].reshape(NW, E_PER_W)
        dst = ei[1].reshape(NW, E_PER_W)
        spad = jnp.arange(PAD_E, dtype=jnp.int32) * 97 % N_USER
        dpad = DUMMY + (jnp.arange(PAD_E, dtype=jnp.int32) % 16)
        src = jnp.concatenate(
            [src, jnp.broadcast_to(spad, (NW, PAD_E))], axis=1)
        dst = jnp.concatenate(
            [dst, jnp.broadcast_to(dpad, (NW, PAD_E))], axis=1)
        return (src.reshape(NW, NCHUNKP, CHUNK), dst.reshape(NW, NCHUNKP, CHUNK))

    sf_, df_ = split_edges(edge_index_follows)
    sc_, dc_ = split_edges(edge_index_clicks)
    sb_, db_ = split_edges(edge_index_bought)

    z_s = jnp.zeros((RPT, D), jnp.float32)
    z_c = jnp.zeros((RPT, CNT_W), jnp.float32)
    ones_h = jnp.zeros((CHUNK, CNT_W), jnp.float32).at[:, 0].set(1.0)
    sum_f, cnt_f, sum_c, cnt_c, sum_b, cnt_b = _sc_agg(
        feat_user, feat_item, z_s, z_c, ones_h, sf_, df_, sc_, dc_, sb_, db_)

    h_user, h_item = _tc_finish(
        sum_f, cnt_f, sum_b, cnt_b, sum_c, cnt_c,
        W_follows, b_follows.reshape(1, D),
        W_bought, b_bought.reshape(1, D),
        W_clicks, b_clicks.reshape(1, D))
    return (h_user, h_item)

# --- scband reference (transcript-rebuilt; emitter-appended) ---
"""Pipeline reference for scband-hetero-rgcnlayer-5927054869107 (READ-ONLY COPY).

The authoritative reference and input builder live on the scoring server;
editing this copy changes nothing except your own understanding.
"""

import jax, jax.numpy as jnp
import numpy as np

N_USER = 10000
N_ITEM = 10000
E = 320000
D_IN = 128
D_OUT = 128


def setup_inputs(seed: int = 0) -> dict:
    key = jax.random.key(seed)
    ks = jax.random.split(key, 11)
    feat_user = jax.random.normal(ks[0], (N_USER, D_IN), dtype=jnp.float32)
    feat_item = jax.random.normal(ks[1], (N_ITEM, D_IN), dtype=jnp.float32)
    # edge_index[0] = src node ids, edge_index[1] = dst node ids
    edge_index_follows = jax.random.randint(ks[2], (2, E), 0, N_USER, dtype=jnp.int32)  # user -> user
    edge_index_clicks = jax.random.randint(ks[3], (2, E), 0, N_USER, dtype=jnp.int32)   # user -> item (src < N_USER, dst < N_ITEM)
    edge_index_bought = jax.random.randint(ks[4], (2, E), 0, N_ITEM, dtype=jnp.int32)   # item -> user
    # per-etype Linear(in_size, out_size) weights, matching nn.Linear init scale
    bound = 1.0 / np.sqrt(D_IN)
    W_follows = jax.random.uniform(ks[5], (D_OUT, D_IN), dtype=jnp.float32, minval=-bound, maxval=bound)
    b_follows = jax.random.uniform(ks[6], (D_OUT,), dtype=jnp.float32, minval=-bound, maxval=bound)
    W_clicks = jax.random.uniform(ks[7], (D_OUT, D_IN), dtype=jnp.float32, minval=-bound, maxval=bound)
    b_clicks = jax.random.uniform(ks[8], (D_OUT,), dtype=jnp.float32, minval=-bound, maxval=bound)
    W_bought = jax.random.uniform(ks[9], (D_OUT, D_IN), dtype=jnp.float32, minval=-bound, maxval=bound)
    b_bought = jax.random.uniform(ks[10], (D_OUT,), dtype=jnp.float32, minval=-bound, maxval=bound)
    return {
        "feat_user": feat_user,
        "feat_item": feat_item,
        "W_follows": W_follows, "b_follows": b_follows,
        "W_clicks": W_clicks, "b_clicks": b_clicks,
        "W_bought": W_bought, "b_bought": b_bought,
        "edge_index_follows": edge_index_follows,
        "edge_index_clicks": edge_index_clicks,
        "edge_index_bought": edge_index_bought,
    }


def _etype_mean(feat_src, W, b, edge_index, n_dst):
    # Wh = Linear(feat_src); message fn = copy_u(Wh); reduce fn = mean over incoming edges
    Wh = feat_src @ W.T + b
    src = edge_index[0]
    dst = edge_index[1]
    msg = jnp.take(Wh, src, axis=0)
    s = jax.ops.segment_sum(msg, dst, num_segments=n_dst)
    cnt = jax.ops.segment_sum(jnp.ones((msg.shape[0],), dtype=msg.dtype), dst, num_segments=n_dst)
    cnt = cnt[:, None]
    # nodes with no incoming edges get 0 (DGL leaves them zero-initialized)
    return jnp.where(cnt > 0, s / jnp.maximum(cnt, 1.0), 0.0)


def reference(feat_user, feat_item,
              W_follows, b_follows, W_clicks, b_clicks, W_bought, b_bought,
              edge_index_follows, edge_index_clicks, edge_index_bought):
    # canonical etypes: ('user','follows','user'), ('user','clicks','item'), ('item','bought','user')
    h_follows = _etype_mean(feat_user, W_follows, b_follows, edge_index_follows, N_USER)
    h_clicks = _etype_mean(feat_user, W_clicks, b_clicks, edge_index_clicks, N_ITEM)
    h_bought = _etype_mean(feat_item, W_bought, b_bought, edge_index_bought, N_USER)
    # multi_update_all cross-type reducer = 'sum'
    h_user = h_follows + h_bought
    h_item = h_clicks
    return (h_user, h_item)

if __name__ == "__main__":
    import jax
    _d = setup_inputs()
    print(jax.jit(kernel)(*tuple(_d.values())))

</pallas_src>

<mosaic_0001>
#map = affine_map<(d0, d1) -> (0, 0)>
#map1 = affine_map<(d0, d1) -> (0, 0, 0)>
module attributes {stable_mosaic.version = 14 : i64} {
  func.func @_sc_body(%arg0: i32, %arg1: i32, %arg2: memref<10000x128xf32, #tpu.memory_space<hbm>>, %arg3: memref<10000x128xf32, #tpu.memory_space<hbm>>, %arg4: memref<624x128xf32, #tpu.memory_space<hbm>>, %arg5: memref<624x8xf32, #tpu.memory_space<hbm>>, %arg6: memref<88x8xf32, #tpu.memory_space<hbm>>, %arg7: memref<32x114x88xi32, #tpu.memory_space<hbm>>, %arg8: memref<32x114x88xi32, #tpu.memory_space<hbm>>, %arg9: memref<32x114x88xi32, #tpu.memory_space<hbm>>, %arg10: memref<32x114x88xi32, #tpu.memory_space<hbm>>, %arg11: memref<32x114x88xi32, #tpu.memory_space<hbm>>, %arg12: memref<32x114x88xi32, #tpu.memory_space<hbm>>, %arg13: memref<2x10000x128xf32, #tpu.memory_space<hbm>>, %arg14: memref<2x10000x8xf32, #tpu.memory_space<hbm>>, %arg15: memref<2x10000x128xf32, #tpu.memory_space<hbm>>, %arg16: memref<2x10000x8xf32, #tpu.memory_space<hbm>>, %arg17: memref<2x10000x128xf32, #tpu.memory_space<hbm>>, %arg18: memref<2x10000x8xf32, #tpu.memory_space<hbm>>, %arg19: memref<10016x128xf32, #tpu.memory_space<vmem_shared>>, %arg20: memref<10016x8xf32, #tpu.memory_space<vmem_shared>>, %arg21: memref<114x88xi32, #tpu.memory_space<vmem>>, %arg22: memref<114x88xi32, #tpu.memory_space<vmem>>, %arg23: memref<88x128xf32, #tpu.memory_space<vmem>>, %arg24: memref<88x128xf32, #tpu.memory_space<vmem>>, %arg25: memref<88x8xf32, #tpu.memory_space<vmem>>, %arg26: memref<!tpu.dma_semaphore, #tpu.memory_space<semaphore_mem>>, %arg27: memref<!tpu.dma_semaphore, #tpu.memory_space<semaphore_mem>>, %arg28: memref<!tpu.dma_semaphore, #tpu.memory_space<semaphore_mem>>, %arg29: memref<!tpu.dma_semaphore, #tpu.memory_space<semaphore_mem>>) attributes {dimension_semantics = [#tpu.dimension_semantics<core_parallel>, #tpu.dimension_semantics<subcore_parallel>], iteration_bounds = array<i64: 2, 16>, scalar_prefetch = 0 : i64, scratch_operands = 11 : i64, tpu.core_type = #tpu.core_type<sc_vector_subcore>, window_params = [{transform_indices = #map}, {transform_indices = #map}, {transform_indices = #map}, {transform_indices = #map}, {transform_indices = #map}, {transform_indices = #map1}, {transform_indices = #map1}, {transform_indices = #map1}, {transform_indices = #map1}, {transform_indices = #map1}, {transform_indices = #map1}, {transform_indices = #map1}, {transform_indices = #map1}, {transform_indices = #map1}, {transform_indices = #map1}, {transform_indices = #map1}, {transform_indices = #map1}]} {
    %mul3A = arith.constant 16 : i32
    %mul3A_0 = arith.muli %arg0, %mul3A : i32
    %add3A = arith.addi %mul3A_0, %arg1 : i32
    %mul3A_1 = arith.constant 624 : i32
    %mul3A_2 = arith.muli %arg1, %mul3A_1 : i32
    %multiple_of3A = tpu.assume_multiple %mul3A_2, 8 : i32
    "tpu.region"() ({
      %run_scoped3A = tpu.sem_alloc : memref<!tpu.dma_semaphore, #tpu.memory_space<semaphore_mem>>
      tpu.enqueue_dma source(%arg6 : memref<88x8xf32, #tpu.memory_space<hbm>>) target(%arg25 : memref<88x8xf32, #tpu.memory_space<vmem>>) target_semaphore(%run_scoped3A : memref<!tpu.dma_semaphore, #tpu.memory_space<semaphore_mem>>)
      tpu.wait_dma2 semaphore(%run_scoped3A : memref<!tpu.dma_semaphore, #tpu.memory_space<semaphore_mem>>) src(%arg6 : memref<88x8xf32, #tpu.memory_space<hbm>>) dst(%arg25 : memref<88x8xf32, #tpu.memory_space<vmem>>)
      tpu.yield
    }) : () -> ()
    %dma_start3A = arith.constant 0 : i32
    %dma_start3A_3 = tpu.memref_slice %arg19[%multiple_of3A, %dma_start3A] : memref<10016x128xf32, #tpu.memory_space<vmem_shared>> -> memref<624x128xf32, #tpu.memory_space<vmem_shared>>
    tpu.enqueue_dma source(%arg4 : memref<624x128xf32, #tpu.memory_space<hbm>>) target(%dma_start3A_3 : memref<624x128xf32, #tpu.memory_space<vmem_shared>>) target_semaphore(%arg26 : memref<!tpu.dma_semaphore, #tpu.memory_space<semaphore_mem>>)
    %dma_start3A_4 = arith.constant 0 : i32
    %dma_start3A_5 = tpu.memref_slice %arg20[%multiple_of3A, %dma_start3A_4] : memref<10016x8xf32, #tpu.memory_space<vmem_shared>> -> memref<624x8xf32, #tpu.memory_space<vmem_shared>>
    tpu.enqueue_dma source(%arg5 : memref<624x8xf32, #tpu.memory_space<hbm>>) target(%dma_start3A_5 : memref<624x8xf32, #tpu.memory_space<vmem_shared>>) target_semaphore(%arg27 : memref<!tpu.dma_semaphore, #tpu.memory_space<semaphore_mem>>)
    %dma_start3A_6 = arith.constant 0 : i32
    %dma_start3A_7 = arith.constant 0 : i32
    %dma_start3A_8 = tpu.memref_slice %arg7[%add3A, %dma_start3A_6, %dma_start3A_7] : memref<32x114x88xi32, #tpu.memory_space<hbm>> -> memref<1x114x88xi32, #tpu.memory_space<hbm>>
    %dma_start3A_9 = tpu.memref_squeeze %dma_start3A_8 : memref<1x114x88xi32, #tpu.memory_space<hbm>> -> memref<114x88xi32, #tpu.memory_space<hbm>>
    %dma_start3A_10 = arith.constant 0 : i32
    %dma_start3A_11 = arith.constant 0 : i32
    %dma_start3A_12 = tpu.memref_slice %arg7[%add3A, %dma_start3A_10, %dma_start3A_11] : memref<32x114x88xi32, #tpu.memory_space<hbm>> -> memref<1x114x88xi32, #tpu.memory_space<hbm>>
    %dma_start3A_13 = tpu.memref_squeeze %dma_start3A_12 : memref<1x114x88xi32, #tpu.memory_space<hbm>> -> memref<114x88xi32, #tpu.memory_space<hbm>>
    tpu.enqueue_dma source(%dma_start3A_13 : memref<114x88xi32, #tpu.memory_space<hbm>>) target(%arg21 : memref<114x88xi32, #tpu.memory_space<vmem>>) target_semaphore(%arg28 : memref<!tpu.dma_semaphore, #tpu.memory_space<semaphore_mem>>)
    %dma_start3A_14 = arith.constant 0 : i32
    %dma_start3A_15 = arith.constant 0 : i32
    %dma_start3A_16 = tpu.memref_slice %arg8[%add3A, %dma_start3A_14, %dma_start3A_15] : memref<32x114x88xi32, #tpu.memory_space<hbm>> -> memref<1x114x88xi32, #tpu.memory_space<hbm>>
    %dma_start3A_17 = tpu.memref_squeeze %dma_start3A_16 : memref<1x114x88xi32, #tpu.memory_space<hbm>> -> memref<114x88xi32, #tpu.memory_space<hbm>>
    %dma_start3A_18 = arith.constant 0 : i32
    %dma_start3A_19 = arith.constant 0 : i32
    %dma_start3A_20 = tpu.memref_slice %arg8[%add3A, %dma_start3A_18, %dma_start3A_19] : memref<32x114x88xi32, #tpu.memory_space<hbm>> -> memref<1x114x88xi32, #tpu.memory_space<hbm>>
    %dma_start3A_21 = tpu.memref_squeeze %dma_start3A_20 : memref<1x114x88xi32, #tpu.memory_space<hbm>> -> memref<114x88xi32, #tpu.memory_space<hbm>>
    tpu.enqueue_dma source(%dma_start3A_21 : memref<114x88xi32, #tpu.memory_space<hbm>>) target(%arg22 : memref<114x88xi32, #tpu.memory_space<vmem>>) target_semaphore(%arg29 : memref<!tpu.dma_semaphore, #tpu.memory_space<semaphore_mem>>)
    %eq3A = arith.constant 0 : i32
    %eq3A_22 = arith.cmpi eq, %arg1, %eq3A : i32
    %convert_element_type3A = arith.extui %eq3A_22 : i1 to i32
    %cond3A = arith.constant 0 : i32
    %cond3A_23 = arith.cmpi ne, %convert_element_type3A, %cond3A : i32
    scf.if %cond3A_23 {
      %dma_start3A_485 = arith.constant 9984 : i32
      %dma_start3A_486 = arith.constant 0 : i32
      %dma_start3A_487 = tpu.memref_slice %arg19[%dma_start3A_485, %dma_start3A_486] : memref<10016x128xf32, #tpu.memory_space<vmem_shared>> -> memref<16x128xf32, #tpu.memory_space<vmem_shared>>
      %dma_start3A_488 = arith.constant 0 : i32
      %dma_start3A_489 = arith.constant 0 : i32
      %dma_start3A_490 = tpu.memref_slice %arg4[%dma_start3A_488, %dma_start3A_489] : memref<624x128xf32, #tpu.memory_space<hbm>> -> memref<16x128xf32, #tpu.memory_space<hbm>>
      tpu.enqueue_dma source(%dma_start3A_490 : memref<16x128xf32, #tpu.memory_space<hbm>>) target(%dma_start3A_487 : memref<16x128xf32, #tpu.memory_space<vmem_shared>>) target_semaphore(%arg26 : memref<!tpu.dma_semaphore, #tpu.memory_space<semaphore_mem>>)
      %dma_wait3A_491 = arith.constant 9984 : i32
      %dma_wait3A_492 = arith.constant 0 : i32
      %dma_wait3A_493 = tpu.memref_slice %arg19[%dma_wait3A_491, %dma_wait3A_492] : memref<10016x128xf32, #tpu.memory_space<vmem_shared>> -> memref<16x128xf32, #tpu.memory_space<vmem_shared>>
      %dma_wait3A_494 = arith.constant 0 : i32
      %dma_wait3A_495 = arith.constant 0 : i32
      %dma_wait3A_496 = tpu.memref_slice %arg4[%dma_wait3A_494, %dma_wait3A_495] : memref<624x128xf32, #tpu.memory_space<hbm>> -> memref<16x128xf32, #tpu.memory_space<hbm>>
      tpu.wait_dma2 semaphore(%arg26 : memref<!tpu.dma_semaphore, #tpu.memory_space<semaphore_mem>>) src(%dma_wait3A_496 : memref<16x128xf32, #tpu.memory_space<hbm>>) dst(%dma_wait3A_493 : memref<16x128xf32, #tpu.memory_space<vmem_shared>>)
      %dma_start3A_497 = arith.constant 9984 : i32
      %dma_start3A_498 = arith.constant 0 : i32
      %dma_start3A_499 = tpu.memref_slice %arg20[%dma_start3A_497, %dma_start3A_498] : memref<10016x8xf32, #tpu.memory_space<vmem_shared>> -> memref<16x8xf32, #tpu.memory_space<vmem_shared>>
      %dma_start3A_500 = arith.constant 0 : i32
      %dma_start3A_501 = arith.constant 0 : i32
      %dma_start3A_502 = tpu.memref_slice %arg5[%dma_start3A_500, %dma_start3A_501] : memref<624x8xf32, #tpu.memory_space<hbm>> -> memref<16x8xf32, #tpu.memory_space<hbm>>
      tpu.enqueue_dma source(%dma_start3A_502 : memref<16x8xf32, #tpu.memory_space<hbm>>) target(%dma_start3A_499 : memref<16x8xf32, #tpu.memory_space<vmem_shared>>) target_semaphore(%arg27 : memref<!tpu.dma_semaphore, #tpu.memory_space<semaphore_mem>>)
      %dma_wait3A_503 = arith.constant 9984 : i32
      %dma_wait3A_504 = arith.constant 0 : i32
      %dma_wait3A_505 = tpu.memref_slice %arg20[%dma_wait3A_503, %dma_wait3A_504] : memref<10016x8xf32, #tpu.memory_space<vmem_shared>> -> memref<16x8xf32, #tpu.memory_space<vmem_shared>>
      %dma_wait3A_506 = arith.constant 0 : i32
      %dma_wait3A_507 = arith.constant 0 : i32
      %dma_wait3A_508 = tpu.memref_slice %arg5[%dma_wait3A_506, %dma_wait3A_507] : memref<624x8xf32, #tpu.memory_space<hbm>> -> memref<16x8xf32, #tpu.memory_space<hbm>>
      tpu.wait_dma2 semaphore(%arg27 : memref<!tpu.dma_semaphore, #tpu.memory_space<semaphore_mem>>) src(%dma_wait3A_508 : memref<16x8xf32, #tpu.memory_space<hbm>>) dst(%dma_wait3A_505 : memref<16x8xf32, #tpu.memory_space<vmem_shared>>)
    } else {
    }
    %dma_wait3A = arith.constant 0 : i32
    %dma_wait3A_24 = tpu.memref_slice %arg19[%multiple_of3A, %dma_wait3A] : memref<10016x128xf32, #tpu.memory_space<vmem_shared>> -> memref<624x128xf32, #tpu.memory_space<vmem_shared>>
    tpu.wait_dma2 semaphore(%arg26 : memref<!tpu.dma_semaphore, #tpu.memory_space<semaphore_mem>>) src(%arg4 : memref<624x128xf32, #tpu.memory_space<hbm>>) dst(%dma_wait3A_24 : memref<624x128xf32, #tpu.memory_space<vmem_shared>>)
    %dma_wait3A_25 = arith.constant 0 : i32
    %dma_wait3A_26 = tpu.memref_slice %arg20[%multiple_of3A, %dma_wait3A_25] : memref<10016x8xf32, #tpu.memory_space<vmem_shared>> -> memref<624x8xf32, #tpu.memory_space<vmem_shared>>
    tpu.wait_dma2 semaphore(%arg27 : memref<!tpu.dma_semaphore, #tpu.memory_space<semaphore_mem>>) src(%arg5 : memref<624x8xf32, #tpu.memory_space<hbm>>) dst(%dma_wait3A_26 : memref<624x8xf32, #tpu.memory_space<vmem_shared>>)
    %dma_wait3A_27 = arith.constant 0 : i32
    %dma_wait3A_28 = arith.constant 0 : i32
    %dma_wait3A_29 = tpu.memref_slice %arg7[%add3A, %dma_wait3A_27, %dma_wait3A_28] : memref<32x114x88xi32, #tpu.memory_space<hbm>> -> memref<1x114x88xi32, #tpu.memory_space<hbm>>
    %dma_wait3A_30 = tpu.memref_squeeze %dma_wait3A_29 : memref<1x114x88xi32, #tpu.memory_space<hbm>> -> memref<114x88xi32, #tpu.memory_space<hbm>>
    %dma_wait3A_31 = arith.constant 0 : i32
    %dma_wait3A_32 = arith.constant 0 : i32
    %dma_wait3A_33 = tpu.memref_slice %arg7[%add3A, %dma_wait3A_31, %dma_wait3A_32] : memref<32x114x88xi32, #tpu.memory_space<hbm>> -> memref<1x114x88xi32, #tpu.memory_space<hbm>>
    %dma_wait3A_34 = tpu.memref_squeeze %dma_wait3A_33 : memref<1x114x88xi32, #tpu.memory_space<hbm>> -> memref<114x88xi32, #tpu.memory_space<hbm>>
    tpu.wait_dma2 semaphore(%arg28 : memref<!tpu.dma_semaphore, #tpu.memory_space<semaphore_mem>>) src(%dma_wait3A_34 : memref<114x88xi32, #tpu.memory_space<hbm>>) dst(%arg21 : memref<114x88xi32, #tpu.memory_space<vmem>>)
    %dma_wait3A_35 = arith.constant 0 : i32
    %dma_wait3A_36 = arith.constant 0 : i32
    %dma_wait3A_37 = tpu.memref_slice %arg8[%add3A, %dma_wait3A_35, %dma_wait3A_36] : memref<32x114x88xi32, #tpu.memory_space<hbm>> -> memref<1x114x88xi32, #tpu.memory_space<hbm>>
    %dma_wait3A_38 = tpu.memref_squeeze %dma_wait3A_37 : memref<1x114x88xi32, #tpu.memory_space<hbm>> -> memref<114x88xi32, #tpu.memory_space<hbm>>
    %dma_wait3A_39 = arith.constant 0 : i32
    %dma_wait3A_40 = arith.constant 0 : i32
    %dma_wait3A_41 = tpu.memref_slice %arg8[%add3A, %dma_wait3A_39, %dma_wait3A_40] : memref<32x114x88xi32, #tpu.memory_space<hbm>> -> memref<1x114x88xi32, #tpu.memory_space<hbm>>
    %dma_wait3A_42 = tpu.memref_squeeze %dma_wait3A_41 : memref<1x114x88xi32, #tpu.memory_space<hbm>> -> memref<114x88xi32, #tpu.memory_space<hbm>>
    tpu.wait_dma2 semaphore(%arg29 : memref<!tpu.dma_semaphore, #tpu.memory_space<semaphore_mem>>) src(%dma_wait3A_42 : memref<114x88xi32, #tpu.memory_space<hbm>>) dst(%arg22 : memref<114x88xi32, #tpu.memory_space<vmem>>)
    %barrier3A = arith.constant 0 : index
    tpu.barrier barrier_id(%barrier3A)
    %dma_start3A_43 = arith.constant 0 : i32
    %dma_start3A_44 = arith.constant 0 : i32
    %dma_start3A_45 = tpu.memref_slice %arg21[%dma_start3A_43, %dma_start3A_44] : memref<114x88xi32, #tpu.memory_space<vmem>> -> memref<1x88xi32, #tpu.memory_space<vmem>>
    %dma_start3A_46 = tpu.memref_squeeze %dma_start3A_45 : memref<1x88xi32, #tpu.memory_space<vmem>> -> memref<88xi32, #tpu.memory_space<vmem>>
    %dma_start3A_47 = arith.constant 0 : i32
    %dma_start3A_48 = arith.constant 0 : i32
    %dma_start3A_49 = tpu.memref_slice %arg2[%dma_start3A_47, %dma_start3A_48] : memref<10000x128xf32, #tpu.memory_space<hbm>> -> memref<10000x128xf32, #tpu.memory_space<hbm>>
    tpu.enqueue_indirect_dma source(%dma_start3A_49 : memref<10000x128xf32, #tpu.memory_space<hbm>>) target(%arg23 : memref<88x128xf32, #tpu.memory_space<vmem>>) offsets(%dma_start3A_46 : memref<88xi32, #tpu.memory_space<vmem>>) semaphore(%arg26 : memref<!tpu.dma_semaphore, #tpu.memory_space<semaphore_mem>>)
    %dma_start3A_50 = arith.constant 1 : i32
    %dma_start3A_51 = arith.constant 0 : i32
    %dma_start3A_52 = tpu.memref_slice %arg21[%dma_start3A_50, %dma_start3A_51] : memref<114x88xi32, #tpu.memory_space<vmem>> -> memref<1x88xi32, #tpu.memory_space<vmem>>
    %dma_start3A_53 = tpu.memref_squeeze %dma_start3A_52 : memref<1x88xi32, #tpu.memory_space<vmem>> -> memref<88xi32, #tpu.memory_space<vmem>>
    %dma_start3A_54 = arith.constant 0 : i32
    %dma_start3A_55 = arith.constant 0 : i32
    %dma_start3A_56 = tpu.memref_slice %arg2[%dma_start3A_54, %dma_start3A_55] : memref<10000x128xf32, #tpu.memory_space<hbm>> -> memref<10000x128xf32, #tpu.memory_space<hbm>>
    tpu.enqueue_indirect_dma source(%dma_start3A_56 : memref<10000x128xf32, #tpu.memory_space<hbm>>) target(%arg24 : memref<88x128xf32, #tpu.memory_space<vmem>>) offsets(%dma_start3A_53 : memref<88xi32, #tpu.memory_space<vmem>>) semaphore(%arg27 : memref<!tpu.dma_semaphore, #tpu.memory_space<semaphore_mem>>)
    %scan3A = arith.constant 0 : i32
    %scan3A_57 = arith.constant 0 : i32
    %scan3A_58 = arith.constant 56 : i32
    %scan3A_59 = arith.addi %scan3A_57, %scan3A_58 : i32
    %scan3A_60 = arith.constant 1 : i32
    scf.for %scan3A_485 = %scan3A_57 to %scan3A_59 step %scan3A_60  : i32 {
      %mul3A_486 = arith.constant 2 : i32
      %mul3A_487 = arith.muli %mul3A_486, %scan3A_485 : i32
      %dma_wait3A_488 = arith.constant 0 : i32
      %dma_wait3A_489 = arith.constant 0 : i32
      %dma_wait3A_490 = tpu.memref_slice %arg21[%dma_wait3A_488, %dma_wait3A_489] : memref<114x88xi32, #tpu.memory_space<vmem>> -> memref<1x88xi32, #tpu.memory_space<vmem>>
      %dma_wait3A_491 = tpu.memref_squeeze %dma_wait3A_490 : memref<1x88xi32, #tpu.memory_space<vmem>> -> memref<88xi32, #tpu.memory_space<vmem>>
      %dma_wait3A_492 = arith.constant 0 : i32
      %dma_wait3A_493 = arith.constant 0 : i32
      %dma_wait3A_494 = tpu.memref_slice %arg2[%dma_wait3A_492, %dma_wait3A_493] : memref<10000x128xf32, #tpu.memory_space<hbm>> -> memref<10000x128xf32, #tpu.memory_space<hbm>>
      tpu.wait_indirect_dma semaphore(%arg26 : memref<!tpu.dma_semaphore, #tpu.memory_space<semaphore_mem>>) src(%dma_wait3A_494 : memref<10000x128xf32, #tpu.memory_space<hbm>>) dst(%arg23 : memref<88x128xf32, #tpu.memory_space<vmem>>)
      %dma_start3A_495 = arith.constant 0 : i32
      %dma_start3A_496 = tpu.memref_slice %arg22[%mul3A_487, %dma_start3A_495] : memref<114x88xi32, #tpu.memory_space<vmem>> -> memref<1x88xi32, #tpu.memory_space<vmem>>
      %dma_start3A_497 = tpu.memref_squeeze %dma_start3A_496 : memref<1x88xi32, #tpu.memory_space<vmem>> -> memref<88xi32, #tpu.memory_space<vmem>>
      %dma_start3A_498 = arith.constant 0 : i32
      %dma_start3A_499 = arith.constant 0 : i32
      %dma_start3A_500 = tpu.memref_slice %arg19[%dma_start3A_498, %dma_start3A_499] : memref<10016x128xf32, #tpu.memory_space<vmem_shared>> -> memref<10016x128xf32, #tpu.memory_space<vmem_shared>>
      tpu.enqueue_indirect_dma source(%arg23 : memref<88x128xf32, #tpu.memory_space<vmem>>) target(%dma_start3A_500 : memref<10016x128xf32, #tpu.memory_space<vmem_shared>>) offsets(%dma_start3A_497 : memref<88xi32, #tpu.memory_space<vmem>>) semaphore(%arg28 : memref<!tpu.dma_semaphore, #tpu.memory_space<semaphore_mem>>) {add = true}
      %dma_start3A_501 = arith.constant 0 : i32
      %dma_start3A_502 = tpu.memref_slice %arg22[%mul3A_487, %dma_start3A_501] : memref<114x88xi32, #tpu.memory_space<vmem>> -> memref<1x88xi32, #tpu.memory_space<vmem>>
      %dma_start3A_503 = tpu.memref_squeeze %dma_start3A_502 : memref<1x88xi32, #tpu.memory_space<vmem>> -> memref<88xi32, #tpu.memory_space<vmem>>
      %dma_start3A_504 = arith.constant 0 : i32
      %dma_start3A_505 = arith.constant 0 : i32
      %dma_start3A_506 = tpu.memref_slice %arg20[%dma_start3A_504, %dma_start3A_505] : memref<10016x8xf32, #tpu.memory_space<vmem_shared>> -> memref<10016x8xf32, #tpu.memory_space<vmem_shared>>
      tpu.enqueue_indirect_dma source(%arg25 : memref<88x8xf32, #tpu.memory_space<vmem>>) target(%dma_start3A_506 : memref<10016x8xf32, #tpu.memory_space<vmem_shared>>) offsets(%dma_start3A_503 : memref<88xi32, #tpu.memory_space<vmem>>) semaphore(%arg28 : memref<!tpu.dma_semaphore, #tpu.memory_space<semaphore_mem>>) {add = true}
      %dma_wait3A_507 = arith.constant 0 : i32
      %dma_wait3A_508 = arith.constant 0 : i32
      %dma_wait3A_509 = tpu.memref_slice %arg21[%dma_wait3A_507, %dma_wait3A_508] : memref<114x88xi32, #tpu.memory_space<vmem>> -> memref<1x88xi32, #tpu.memory_space<vmem>>
      %dma_wait3A_510 = tpu.memref_squeeze %dma_wait3A_509 : memref<1x88xi32, #tpu.memory_space<vmem>> -> memref<88xi32, #tpu.memory_space<vmem>>
      %dma_wait3A_511 = arith.constant 0 : i32
      %dma_wait3A_512 = arith.constant 0 : i32
      %dma_wait3A_513 = tpu.memref_slice %arg2[%dma_wait3A_511, %dma_wait3A_512] : memref<10000x128xf32, #tpu.memory_space<hbm>> -> memref<10000x128xf32, #tpu.memory_space<hbm>>
      tpu.wait_indirect_dma semaphore(%arg27 : memref<!tpu.dma_semaphore, #tpu.memory_space<semaphore_mem>>) src(%dma_wait3A_513 : memref<10000x128xf32, #tpu.memory_space<hbm>>) dst(%arg24 : memref<88x128xf32, #tpu.memory_space<vmem>>)
      %add3A_514 = arith.constant 1 : i32
      %add3A_515 = arith.addi %mul3A_487, %add3A_514 : i32
      %dma_start3A_516 = arith.constant 0 : i32
      %dma_start3A_517 = tpu.memref_slice %arg22[%add3A_515, %dma_start3A_516] : memref<114x88xi32, #tpu.memory_space<vmem>> -> memref<1x88xi32, #tpu.memory_space<vmem>>
      %dma_start3A_518 = tpu.memref_squeeze %dma_start3A_517 : memref<1x88xi32, #tpu.memory_space<vmem>> -> memref<88xi32, #tpu.memory_space<vmem>>
      %dma_start3A_519 = arith.constant 0 : i32
      %dma_start3A_520 = arith.constant 0 : i32
      %dma_start3A_521 = tpu.memref_slice %arg19[%dma_start3A_519, %dma_start3A_520] : memref<10016x128xf32, #tpu.memory_space<vmem_shared>> -> memref<10016x128xf32, #tpu.memory_space<vmem_shared>>
      tpu.enqueue_indirect_dma source(%arg24 : memref<88x128xf32, #tpu.memory_space<vmem>>) target(%dma_start3A_521 : memref<10016x128xf32, #tpu.memory_space<vmem_shared>>) offsets(%dma_start3A_518 : memref<88xi32, #tpu.memory_space<vmem>>) semaphore(%arg29 : memref<!tpu.dma_semaphore, #tpu.memory_space<semaphore_mem>>) {add = true}
      %dma_start3A_522 = arith.constant 0 : i32
      %dma_start3A_523 = tpu.memref_slice %arg22[%add3A_515, %dma_start3A_522] : memref<114x88xi32, #tpu.memory_space<vmem>> -> memref<1x88xi32, #tpu.memory_space<vmem>>
      %dma_start3A_524 = tpu.memref_squeeze %dma_start3A_523 : memref<1x88xi32, #tpu.memory_space<vmem>> -> memref<88xi32, #tpu.memory_space<vmem>>
      %dma_start3A_525 = arith.constant 0 : i32
      %dma_start3A_526 = arith.constant 0 : i32
      %dma_start3A_527 = tpu.memref_slice %arg20[%dma_start3A_525, %dma_start3A_526] : memref<10016x8xf32, #tpu.memory_space<vmem_shared>> -> memref<10016x8xf32, #tpu.memory_space<vmem_shared>>
      tpu.enqueue_indirect_dma source(%arg25 : memref<88x8xf32, #tpu.memory_space<vmem>>) target(%dma_start3A_527 : memref<10016x8xf32, #tpu.memory_space<vmem_shared>>) offsets(%dma_start3A_524 : memref<88xi32, #tpu.memory_space<vmem>>) semaphore(%arg29 : memref<!tpu.dma_semaphore, #tpu.memory_space<semaphore_mem>>) {add = true}
      %dma_wait3A_528 = arith.constant 0 : i32
      %dma_wait3A_529 = arith.constant 0 : i32
      %dma_wait3A_530 = tpu.memref_slice %arg22[%dma_wait3A_528, %dma_wait3A_529] : memref<114x88xi32, #tpu.memory_space<vmem>> -> memref<1x88xi32, #tpu.memory_space<vmem>>
      %dma_wait3A_531 = tpu.memref_squeeze %dma_wait3A_530 : memref<1x88xi32, #tpu.memory_space<vmem>> -> memref<88xi32, #tpu.memory_space<vmem>>
      %dma_wait3A_532 = arith.constant 0 : i32
      %dma_wait3A_533 = arith.constant 0 : i32
      %dma_wait3A_534 = tpu.memref_slice %arg19[%dma_wait3A_532, %dma_wait3A_533] : memref<10016x128xf32, #tpu.memory_space<vmem_shared>> -> memref<10016x128xf32, #tpu.memory_space<vmem_shared>>
      tpu.wait_indirect_dma semaphore(%arg28 : memref<!tpu.dma_semaphore, #tpu.memory_space<semaphore_mem>>) src(%arg23 : memref<88x128xf32, #tpu.memory_space<vmem>>) dst(%dma_wait3A_534 : memref<10016x128xf32, #tpu.memory_space<vmem_shared>>)
      %dma_wait3A_535 = arith.constant 0 : i32
      %dma_wait3A_536 = arith.constant 0 : i32
      %dma_wait3A_537 = tpu.memref_slice %arg22[%dma_wait3A_535, %dma_wait3A_536] : memref<114x88xi32, #tpu.memory_space<vmem>> -> memref<1x88xi32, #tpu.memory_space<vmem>>
      %dma_wait3A_538 = tpu.memref_squeeze %dma_wait3A_537 : memref<1x88xi32, #tpu.memory_space<vmem>> -> memref<88xi32, #tpu.memory_space<vmem>>
      %dma_wait3A_539 = arith.constant 0 : i32
      %dma_wait3A_540 = arith.constant 0 : i32
      %dma_wait3A_541 = tpu.memref_slice %arg20[%dma_wait3A_539, %dma_wait3A_540] : memref<10016x8xf32, #tpu.memory_space<vmem_shared>> -> memref<10016x8xf32, #tpu.memory_space<vmem_shared>>
      tpu.wait_indirect_dma semaphore(%arg28 : memref<!tpu.dma_semaphore, #tpu.memory_space<semaphore_mem>>) src(%arg25 : memref<88x8xf32, #tpu.memory_space<vmem>>) dst(%dma_wait3A_541 : memref<10016x8xf32, #tpu.memory_space<vmem_shared>>)
      %add3A_542 = arith.constant 2 : i32
      %add3A_543 = arith.addi %mul3A_487, %add3A_542 : i32
      %dma_start3A_544 = arith.constant 0 : i32
      %dma_start3A_545 = tpu.memref_slice %arg21[%add3A_543, %dma_start3A_544] : memref<114x88xi32, #tpu.memory_space<vmem>> -> memref<1x88xi32, #tpu.memory_space<vmem>>
      %dma_start3A_546 = tpu.memref_squeeze %dma_start3A_545 : memref<1x88xi32, #tpu.memory_space<vmem>> -> memref<88xi32, #tpu.memory_space<vmem>>
      %dma_start3A_547 = arith.constant 0 : i32
      %dma_start3A_548 = arith.constant 0 : i32
      %dma_start3A_549 = tpu.memref_slice %arg2[%dma_start3A_547, %dma_start3A_548] : memref<10000x128xf32, #tpu.memory_space<hbm>> -> memref<10000x128xf32, #tpu.memory_space<hbm>>
      tpu.enqueue_indirect_dma source(%dma_start3A_549 : memref<10000x128xf32, #tpu.memory_space<hbm>>) target(%arg23 : memref<88x128xf32, #tpu.memory_space<vmem>>) offsets(%dma_start3A_546 : memref<88xi32, #tpu.memory_space<vmem>>) semaphore(%arg26 : memref<!tpu.dma_semaphore, #tpu.memory_space<semaphore_mem>>)
      %dma_wait3A_550 = arith.constant 0 : i32
      %dma_wait3A_551 = arith.constant 0 : i32
      %dma_wait3A_552 = tpu.memref_slice %arg22[%dma_wait3A_550, %dma_wait3A_551] : memref<114x88xi32, #tpu.memory_space<vmem>> -> memref<1x88xi32, #tpu.memory_space<vmem>>
      %dma_wait3A_553 = tpu.memref_squeeze %dma_wait3A_552 : memref<1x88xi32, #tpu.memory_space<vmem>> -> memref<88xi32, #tpu.memory_space<vmem>>
      %dma_wait3A_554 = arith.constant 0 : i32
      %dma_wait3A_555 = arith.constant 0 : i32
      %dma_wait3A_556 = tpu.memref_slice %arg19[%dma_wait3A_554, %dma_wait3A_555] : memref<10016x128xf32, #tpu.memory_space<vmem_shared>> -> memref<10016x128xf32, #tpu.memory_space<vmem_shared>>
      tpu.wait_indirect_dma semaphore(%arg29 : memref<!tpu.dma_semaphore, #tpu.memory_space<semaphore_mem>>) src(%arg24 : memref<88x128xf32, #tpu.memory_space<vmem>>) dst(%dma_wait3A_556 : memref<10016x128xf32, #tpu.memory_space<vmem_shared>>)
      %dma_wait3A_557 = arith.constant 0 : i32
      %dma_wait3A_558 = arith.constant 0 : i32
      %dma_wait3A_559 = tpu.memref_slice %arg22[%dma_wait3A_557, %dma_wait3A_558] : memref<114x88xi32, #tpu.memory_space<vmem>> -> memref<1x88xi32, #tpu.memory_space<vmem>>
      %dma_wait3A_560 = tpu.memref_squeeze %dma_wait3A_559 : memref<1x88xi32, #tpu.memory_space<vmem>> -> memref<88xi32, #tpu.memory_space<vmem>>
      %dma_wait3A_561 = arith.constant 0 : i32
      %dma_wait3A_562 = arith.constant 0 : i32
      %dma_wait3A_563 = tpu.memref_slice %arg20[%dma_wait3A_561, %dma_wait3A_562] : memref<10016x8xf32, #tpu.memory_space<vmem_shared>> -> memref<10016x8xf32, #tpu.memory_space<vmem_shared>>
      tpu.wait_indirect_dma semaphore(%arg29 : memref<!tpu.dma_semaphore, #tpu.memory_space<semaphore_mem>>) src(%arg25 : memref<88x8xf32, #tpu.memory_space<vmem>>) dst(%dma_wait3A_563 : memref<10016x8xf32, #tpu.memory_space<vmem_shared>>)
      %add3A_564 = arith.constant 3 : i32
      %add3A_565 = arith.addi %mul3A_487, %add3A_564 : i32
      %dma_start3A_566 = arith.constant 0 : i32
      %dma_start3A_567 = tpu.memref_slice %arg21[%add3A_565, %dma_start3A_566] : memref<114x88xi32, #tpu.memory_space<vmem>> -> memref<1x88xi32, #tpu.memory_space<vmem>>
      %dma_start3A_568 = tpu.memref_squeeze %dma_start3A_567 : memref<1x88xi32, #tpu.memory_space<vmem>> -> memref<88xi32, #tpu.memory_space<vmem>>
      %dma_start3A_569 = arith.constant 0 : i32
      %dma_start3A_570 = arith.constant 0 : i32
      %dma_start3A_571 = tpu.memref_slice %arg2[%dma_start3A_569, %dma_start3A_570] : memref<10000x128xf32, #tpu.memory_space<hbm>> -> memref<10000x128xf32, #tpu.memory_space<hbm>>
      tpu.enqueue_indirect_dma source(%dma_start3A_571 : memref<10000x128xf32, #tpu.memory_space<hbm>>) target(%arg24 : memref<88x128xf32, #tpu.memory_space<vmem>>) offsets(%dma_start3A_568 : memref<88xi32, #tpu.memory_space<vmem>>) semaphore(%arg27 : memref<!tpu.dma_semaphore, #tpu.memory_space<semaphore_mem>>)
    }
    %scan3A_61 = arith.constant 56 : i32
    %dma_wait3A_62 = arith.constant 0 : i32
    %dma_wait3A_63 = arith.constant 0 : i32
    %dma_wait3A_64 = tpu.memref_slice %arg21[%dma_wait3A_62, %dma_wait3A_63] : memref<114x88xi32, #tpu.memory_space<vmem>> -> memref<1x88xi32, #tpu.memory_space<vmem>>
    %dma_wait3A_65 = tpu.memref_squeeze %dma_wait3A_64 : memref<1x88xi32, #tpu.memory_space<vmem>> -> memref<88xi32, #tpu.memory_space<vmem>>
    %dma_wait3A_66 = arith.constant 0 : i32
    %dma_wait3A_67 = arith.constant 0 : i32
    %dma_wait3A_68 = tpu.memref_slice %arg2[%dma_wait3A_66, %dma_wait3A_67] : memref<10000x128xf32, #tpu.memory_space<hbm>> -> memref<10000x128xf32, #tpu.memory_space<hbm>>
    tpu.wait_indirect_dma semaphore(%arg26 : memref<!tpu.dma_semaphore, #tpu.memory_space<semaphore_mem>>) src(%dma_wait3A_68 : memref<10000x128xf32, #tpu.memory_space<hbm>>) dst(%arg23 : memref<88x128xf32, #tpu.memory_space<vmem>>)
    %dma_start3A_69 = arith.constant 112 : i32
    %dma_start3A_70 = arith.constant 0 : i32
    %dma_start3A_71 = tpu.memref_slice %arg22[%dma_start3A_69, %dma_start3A_70] : memref<114x88xi32, #tpu.memory_space<vmem>> -> memref<1x88xi32, #tpu.memory_space<vmem>>
    %dma_start3A_72 = tpu.memref_squeeze %dma_start3A_71 : memref<1x88xi32, #tpu.memory_space<vmem>> -> memref<88xi32, #tpu.memory_space<vmem>>
    %dma_start3A_73 = arith.constant 0 : i32
    %dma_start3A_74 = arith.constant 0 : i32
    %dma_start3A_75 = tpu.memref_slice %arg19[%dma_start3A_73, %dma_start3A_74] : memref<10016x128xf32, #tpu.memory_space<vmem_shared>> -> memref<10016x128xf32, #tpu.memory_space<vmem_shared>>
    tpu.enqueue_indirect_dma source(%arg23 : memref<88x128xf32, #tpu.memory_space<vmem>>) target(%dma_start3A_75 : memref<10016x128xf32, #tpu.memory_space<vmem_shared>>) offsets(%dma_start3A_72 : memref<88xi32, #tpu.memory_space<vmem>>) semaphore(%arg28 : memref<!tpu.dma_semaphore, #tpu.memory_space<semaphore_mem>>) {add = true}
    %dma_start3A_76 = arith.constant 112 : i32
    %dma_start3A_77 = arith.constant 0 : i32
    %dma_start3A_78 = tpu.memref_slice %arg22[%dma_start3A_76, %dma_start3A_77] : memref<114x88xi32, #tpu.memory_space<vmem>> -> memref<1x88xi32, #tpu.memory_space<vmem>>
    %dma_start3A_79 = tpu.memref_squeeze %dma_start3A_78 : memref<1x88xi32, #tpu.memory_space<vmem>> -> memref<88xi32, #tpu.memory_space<vmem>>
    %dma_start3A_80 = arith.constant 0 : i32
    %dma_start3A_81 = arith.constant 0 : i32
    %dma_start3A_82 = tpu.memref_slice %arg20[%dma_start3A_80, %dma_start3A_81] : memref<10016x8xf32, #tpu.memory_space<vmem_shared>> -> memref<10016x8xf32, #tpu.memory_space<vmem_shared>>
    tpu.enqueue_indirect_dma source(%arg25 : memref<88x8xf32, #tpu.memory_space<vmem>>) target(%dma_start3A_82 : memref<10016x8xf32, #tpu.memory_space<vmem_shared>>) offsets(%dma_start3A_79 : memref<88xi32, #tpu.memory_space<vmem>>) semaphore(%arg28 : memref<!tpu.dma_semaphore, #tpu.memory_space<semaphore_mem>>) {add = true}
    %dma_wait3A_83 = arith.constant 0 : i32
    %dma_wait3A_84 = arith.constant 0 : i32
    %dma_wait3A_85 = tpu.memref_slice %arg21[%dma_wait3A_83, %dma_wait3A_84] : memref<114x88xi32, #tpu.memory_space<vmem>> -> memref<1x88xi32, #tpu.memory_space<vmem>>
    %dma_wait3A_86 = tpu.memref_squeeze %dma_wait3A_85 : memref<1x88xi32, #tpu.memory_space<vmem>> -> memref<88xi32, #tpu.memory_space<vmem>>
    %dma_wait3A_87 = arith.constant 0 : i32
    %dma_wait3A_88 = arith.constant 0 : i32
    %dma_wait3A_89 = tpu.memref_slice %arg2[%dma_wait3A_87, %dma_wait3A_88] : memref<10000x128xf32, #tpu.memory_space<hbm>> -> memref<10000x128xf32, #tpu.memory_space<hbm>>
    tpu.wait_indirect_dma semaphore(%arg27 : memref<!tpu.dma_semaphore, #tpu.memory_space<semaphore_mem>>) src(%dma_wait3A_89 : memref<10000x128xf32, #tpu.memory_space<hbm>>) dst(%arg24 : memref<88x128xf32, #tpu.memory_space<vmem>>)
    %dma_start3A_90 = arith.constant 113 : i32
    %dma_start3A_91 = arith.constant 0 : i32
    %dma_start3A_92 = tpu.memref_slice %arg22[%dma_start3A_90, %dma_start3A_91] : memref<114x88xi32, #tpu.memory_space<vmem>> -> memref<1x88xi32, #tpu.memory_space<vmem>>
    %dma_start3A_93 = tpu.memref_squeeze %dma_start3A_92 : memref<1x88xi32, #tpu.memory_space<vmem>> -> memref<88xi32, #tpu.memory_space<vmem>>
    %dma_start3A_94 = arith.constant 0 : i32
    %dma_start3A_95 = arith.constant 0 : i32
    %dma_start3A_96 = tpu.memref_slice %arg19[%dma_start3A_94, %dma_start3A_95] : memref<10016x128xf32, #tpu.memory_space<vmem_shared>> -> memref<10016x128xf32, #tpu.memory_space<vmem_shared>>
    tpu.enqueue_indirect_dma source(%arg24 : memref<88x128xf32, #tpu.memory_space<vmem>>) target(%dma_start3A_96 : memref<10016x128xf32, #tpu.memory_space<vmem_shared>>) offsets(%dma_start3A_93 : memref<88xi32, #tpu.memory_space<vmem>>) semaphore(%arg29 : memref<!tpu.dma_semaphore, #tpu.memory_space<semaphore_mem>>) {add = true}
    %dma_start3A_97 = arith.constant 113 : i32
    %dma_start3A_98 = arith.constant 0 : i32
    %dma_start3A_99 = tpu.memref_slice %arg22[%dma_start3A_97, %dma_start3A_98] : memref<114x88xi32, #tpu.memory_space<vmem>> -> memref<1x88xi32, #tpu.memory_space<vmem>>
    %dma_start3A_100 = tpu.memref_squeeze %dma_start3A_99 : memref<1x88xi32, #tpu.memory_space<vmem>> -> memref<88xi32, #tpu.memory_space<vmem>>
    %dma_start3A_101 = arith.constant 0 : i32
    %dma_start3A_102 = arith.constant 0 : i32
    %dma_start3A_103 = tpu.memref_slice %arg20[%dma_start3A_101, %dma_start3A_102] : memref<10016x8xf32, #tpu.memory_space<vmem_shared>> -> memref<10016x8xf32, #tpu.memory_space<vmem_shared>>
    tpu.enqueue_indirect_dma source(%arg25 : memref<88x8xf32, #tpu.memory_space<vmem>>) target(%dma_start3A_103 : memref<10016x8xf32, #tpu.memory_space<vmem_shared>>) offsets(%dma_start3A_100 : memref<88xi32, #tpu.memory_space<vmem>>) semaphore(%arg29 : memref<!tpu.dma_semaphore, #tpu.memory_space<semaphore_mem>>) {add = true}
    %dma_wait3A_104 = arith.constant 0 : i32
    %dma_wait3A_105 = arith.constant 0 : i32
    %dma_wait3A_106 = tpu.memref_slice %arg22[%dma_wait3A_104, %dma_wait3A_105] : memref<114x88xi32, #tpu.memory_space<vmem>> -> memref<1x88xi32, #tpu.memory_space<vmem>>
    %dma_wait3A_107 = tpu.memref_squeeze %dma_wait3A_106 : memref<1x88xi32, #tpu.memory_space<vmem>> -> memref<88xi32, #tpu.memory_space<vmem>>
    %dma_wait3A_108 = arith.constant 0 : i32
    %dma_wait3A_109 = arith.constant 0 : i32
    %dma_wait3A_110 = tpu.memref_slice %arg19[%dma_wait3A_108, %dma_wait3A_109] : memref<10016x128xf32, #tpu.memory_space<vmem_shared>> -> memref<10016x128xf32, #tpu.memory_space<vmem_shared>>
    tpu.wait_indirect_dma semaphore(%arg28 : memref<!tpu.dma_semaphore, #tpu.memory_space<semaphore_mem>>) src(%arg23 : memref<88x128xf32, #tpu.memory_space<vmem>>) dst(%dma_wait3A_110 : memref<10016x128xf32, #tpu.memory_space<vmem_shared>>)
    %dma_wait3A_111 = arith.constant 0 : i32
    %dma_wait3A_112 = arith.constant 0 : i32
    %dma_wait3A_113 = tpu.memref_slice %arg22[%dma_wait3A_111, %dma_wait3A_112] : memref<114x88xi32, #tpu.memory_space<vmem>> -> memref<1x88xi32, #tpu.memory_space<vmem>>
    %dma_wait3A_114 = tpu.memref_squeeze %dma_wait3A_113 : memref<1x88xi32, #tpu.memory_space<vmem>> -> memref<88xi32, #tpu.memory_space<vmem>>
    %dma_wait3A_115 = arith.constant 0 : i32
    %dma_wait3A_116 = arith.constant 0 : i32
    %dma_wait3A_117 = tpu.memref_slice %arg20[%dma_wait3A_115, %dma_wait3A_116] : memref<10016x8xf32, #tpu.memory_space<vmem_shared>> -> memref<10016x8xf32, #tpu.memory_space<vmem_shared>>
    tpu.wait_indirect_dma semaphore(%arg28 : memref<!tpu.dma_semaphore, #tpu.memory_space<semaphore_mem>>) src(%arg25 : memref<88x8xf32, #tpu.memory_space<vmem>>) dst(%dma_wait3A_117 : memref<10016x8xf32, #tpu.memory_space<vmem_shared>>)
    %dma_wait3A_118 = arith.constant 0 : i32
    %dma_wait3A_119 = arith.constant 0 : i32
    %dma_wait3A_120 = tpu.memref_slice %arg22[%dma_wait3A_118, %dma_wait3A_119] : memref<114x88xi32, #tpu.memory_space<vmem>> -> memref<1x88xi32, #tpu.memory_space<vmem>>
    %dma_wait3A_121 = tpu.memref_squeeze %dma_wait3A_120 : memref<1x88xi32, #tpu.memory_space<vmem>> -> memref<88xi32, #tpu.memory_space<vmem>>
    %dma_wait3A_122 = arith.constant 0 : i32
    %dma_wait3A_123 = arith.constant 0 : i32
    %dma_wait3A_124 = tpu.memref_slice %arg19[%dma_wait3A_122, %dma_wait3A_123] : memref<10016x128xf32, #tpu.memory_space<vmem_shared>> -> memref<10016x128xf32, #tpu.memory_space<vmem_shared>>
    tpu.wait_indirect_dma semaphore(%arg29 : memref<!tpu.dma_semaphore, #tpu.memory_space<semaphore_mem>>) src(%arg24 : memref<88x128xf32, #tpu.memory_space<vmem>>) dst(%dma_wait3A_124 : memref<10016x128xf32, #tpu.memory_space<vmem_shared>>)
    %dma_wait3A_125 = arith.constant 0 : i32
    %dma_wait3A_126 = arith.constant 0 : i32
    %dma_wait3A_127 = tpu.memref_slice %arg22[%dma_wait3A_125, %dma_wait3A_126] : memref<114x88xi32, #tpu.memory_space<vmem>> -> memref<1x88xi32, #tpu.memory_space<vmem>>
    %dma_wait3A_128 = tpu.memref_squeeze %dma_wait3A_127 : memref<1x88xi32, #tpu.memory_space<vmem>> -> memref<88xi32, #tpu.memory_space<vmem>>
    %dma_wait3A_129 = arith.constant 0 : i32
    %dma_wait3A_130 = arith.constant 0 : i32
    %dma_wait3A_131 = tpu.memref_slice %arg20[%dma_wait3A_129, %dma_wait3A_130] : memref<10016x8xf32, #tpu.memory_space<vmem_shared>> -> memref<10016x8xf32, #tpu.memory_space<vmem_shared>>
    tpu.wait_indirect_dma semaphore(%arg29 : memref<!tpu.dma_semaphore, #tpu.memory_space<semaphore_mem>>) src(%arg25 : memref<88x8xf32, #tpu.memory_space<vmem>>) dst(%dma_wait3A_131 : memref<10016x8xf32, #tpu.memory_space<vmem_shared>>)
    %barrier3A_132 = arith.constant 0 : index
    tpu.barrier barrier_id(%barrier3A_132)
    %dma_start3A_133 = arith.constant 0 : i32
    %dma_start3A_134 = tpu.memref_slice %arg13[%arg0, %multiple_of3A, %dma_start3A_133] : memref<2x10000x128xf32, #tpu.memory_space<hbm>> -> memref<1x624x128xf32, #tpu.memory_space<hbm>>
    %dma_start3A_135 = tpu.memref_squeeze %dma_start3A_134 : memref<1x624x128xf32, #tpu.memory_space<hbm>> -> memref<624x128xf32, #tpu.memory_space<hbm>>
    %dma_start3A_136 = arith.constant 0 : i32
    %dma_start3A_137 = tpu.memref_slice %arg19[%multiple_of3A, %dma_start3A_136] : memref<10016x128xf32, #tpu.memory_space<vmem_shared>> -> memref<624x128xf32, #tpu.memory_space<vmem_shared>>
    tpu.enqueue_dma source(%dma_start3A_137 : memref<624x128xf32, #tpu.memory_space<vmem_shared>>) target(%dma_start3A_135 : memref<624x128xf32, #tpu.memory_space<hbm>>) target_semaphore(%arg26 : memref<!tpu.dma_semaphore, #tpu.memory_space<semaphore_mem>>)
    %dma_start3A_138 = arith.constant 0 : i32
    %dma_start3A_139 = tpu.memref_slice %arg14[%arg0, %multiple_of3A, %dma_start3A_138] : memref<2x10000x8xf32, #tpu.memory_space<hbm>> -> memref<1x624x8xf32, #tpu.memory_space<hbm>>
    %dma_start3A_140 = tpu.memref_squeeze %dma_start3A_139 : memref<1x624x8xf32, #tpu.memory_space<hbm>> -> memref<624x8xf32, #tpu.memory_space<hbm>>
    %dma_start3A_141 = arith.constant 0 : i32
    %dma_start3A_142 = tpu.memref_slice %arg20[%multiple_of3A, %dma_start3A_141] : memref<10016x8xf32, #tpu.memory_space<vmem_shared>> -> memref<624x8xf32, #tpu.memory_space<vmem_shared>>
    tpu.enqueue_dma source(%dma_start3A_142 : memref<624x8xf32, #tpu.memory_space<vmem_shared>>) target(%dma_start3A_140 : memref<624x8xf32, #tpu.memory_space<hbm>>) target_semaphore(%arg27 : memref<!tpu.dma_semaphore, #tpu.memory_space<semaphore_mem>>)
    %eq3A_143 = arith.constant 0 : i32
    %eq3A_144 = arith.cmpi eq, %arg1, %eq3A_143 : i32
    %convert_element_type3A_145 = arith.extui %eq3A_144 : i1 to i32
    %cond3A_146 = arith.constant 0 : i32
    %cond3A_147 = arith.cmpi ne, %convert_element_type3A_145, %cond3A_146 : i32
    scf.if %cond3A_147 {
      %dma_start3A_485 = arith.constant 9984 : i32
      %dma_start3A_486 = arith.constant 0 : i32
      %dma_start3A_487 = tpu.memref_slice %arg13[%arg0, %dma_start3A_485, %dma_start3A_486] : memref<2x10000x128xf32, #tpu.memory_space<hbm>> -> memref<1x16x128xf32, #tpu.memory_space<hbm>>
      %dma_start3A_488 = tpu.memref_squeeze %dma_start3A_487 : memref<1x16x128xf32, #tpu.memory_space<hbm>> -> memref<16x128xf32, #tpu.memory_space<hbm>>
      %dma_start3A_489 = arith.constant 9984 : i32
      %dma_start3A_490 = arith.constant 0 : i32
      %dma_start3A_491 = tpu.memref_slice %arg19[%dma_start3A_489, %dma_start3A_490] : memref<10016x128xf32, #tpu.memory_space<vmem_shared>> -> memref<16x128xf32, #tpu.memory_space<vmem_shared>>
      tpu.enqueue_dma source(%dma_start3A_491 : memref<16x128xf32, #tpu.memory_space<vmem_shared>>) target(%dma_start3A_488 : memref<16x128xf32, #tpu.memory_space<hbm>>) target_semaphore(%arg28 : memref<!tpu.dma_semaphore, #tpu.memory_space<semaphore_mem>>)
      %dma_wait3A_492 = arith.constant 9984 : i32
      %dma_wait3A_493 = arith.constant 0 : i32
      %dma_wait3A_494 = tpu.memref_slice %arg13[%arg0, %dma_wait3A_492, %dma_wait3A_493] : memref<2x10000x128xf32, #tpu.memory_space<hbm>> -> memref<1x16x128xf32, #tpu.memory_space<hbm>>
      %dma_wait3A_495 = tpu.memref_squeeze %dma_wait3A_494 : memref<1x16x128xf32, #tpu.memory_space<hbm>> -> memref<16x128xf32, #tpu.memory_space<hbm>>
      %dma_wait3A_496 = arith.constant 9984 : i32
      %dma_wait3A_497 = arith.constant 0 : i32
      %dma_wait3A_498 = tpu.memref_slice %arg19[%dma_wait3A_496, %dma_wait3A_497] : memref<10016x128xf32, #tpu.memory_space<vmem_shared>> -> memref<16x128xf32, #tpu.memory_space<vmem_shared>>
      tpu.wait_dma2 semaphore(%arg28 : memref<!tpu.dma_semaphore, #tpu.memory_space<semaphore_mem>>) src(%dma_wait3A_498 : memref<16x128xf32, #tpu.memory_space<vmem_shared>>) dst(%dma_wait3A_495 : memref<16x128xf32, #tpu.memory_space<hbm>>)
      %dma_start3A_499 = arith.constant 9984 : i32
      %dma_start3A_500 = arith.constant 0 : i32
      %dma_start3A_501 = tpu.memref_slice %arg14[%arg0, %dma_start3A_499, %dma_start3A_500] : memref<2x10000x8xf32, #tpu.memory_space<hbm>> -> memref<1x16x8xf32, #tpu.memory_space<hbm>>
      %dma_start3A_502 = tpu.memref_squeeze %dma_start3A_501 : memref<1x16x8xf32, #tpu.memory_space<hbm>> -> memref<16x8xf32, #tpu.memory_space<hbm>>
      %dma_start3A_503 = arith.constant 9984 : i32
      %dma_start3A_504 = arith.constant 0 : i32
      %dma_start3A_505 = tpu.memref_slice %arg20[%dma_start3A_503, %dma_start3A_504] : memref<10016x8xf32, #tpu.memory_space<vmem_shared>> -> memref<16x8xf32, #tpu.memory_space<vmem_shared>>
      tpu.enqueue_dma source(%dma_start3A_505 : memref<16x8xf32, #tpu.memory_space<vmem_shared>>) target(%dma_start3A_502 : memref<16x8xf32, #tpu.memory_space<hbm>>) target_semaphore(%arg29 : memref<!tpu.dma_semaphore, #tpu.memory_space<semaphore_mem>>)
      %dma_wait3A_506 = arith.constant 9984 : i32
      %dma_wait3A_507 = arith.constant 0 : i32
      %dma_wait3A_508 = tpu.memref_slice %arg14[%arg0, %dma_wait3A_506, %dma_wait3A_507] : memref<2x10000x8xf32, #tpu.memory_space<hbm>> -> memref<1x16x8xf32, #tpu.memory_space<hbm>>
      %dma_wait3A_509 = tpu.memref_squeeze %dma_wait3A_508 : memref<1x16x8xf32, #tpu.memory_space<hbm>> -> memref<16x8xf32, #tpu.memory_space<hbm>>
      %dma_wait3A_510 = arith.constant 9984 : i32
      %dma_wait3A_511 = arith.constant 0 : i32
      %dma_wait3A_512 = tpu.memref_slice %arg20[%dma_wait3A_510, %dma_wait3A_511] : memref<10016x8xf32, #tpu.memory_space<vmem_shared>> -> memref<16x8xf32, #tpu.memory_space<vmem_shared>>
      tpu.wait_dma2 semaphore(%arg29 : memref<!tpu.dma_semaphore, #tpu.memory_space<semaphore_mem>>) src(%dma_wait3A_512 : memref<16x8xf32, #tpu.memory_space<vmem_shared>>) dst(%dma_wait3A_509 : memref<16x8xf32, #tpu.memory_space<hbm>>)
    } else {
    }
    %dma_wait3A_148 = arith.constant 0 : i32
    %dma_wait3A_149 = tpu.memref_slice %arg13[%arg0, %multiple_of3A, %dma_wait3A_148] : memref<2x10000x128xf32, #tpu.memory_space<hbm>> -> memref<1x624x128xf32, #tpu.memory_space<hbm>>
    %dma_wait3A_150 = tpu.memref_squeeze %dma_wait3A_149 : memref<1x624x128xf32, #tpu.memory_space<hbm>> -> memref<624x128xf32, #tpu.memory_space<hbm>>
    %dma_wait3A_151 = arith.constant 0 : i32
    %dma_wait3A_152 = tpu.memref_slice %arg19[%multiple_of3A, %dma_wait3A_151] : memref<10016x128xf32, #tpu.memory_space<vmem_shared>> -> memref<624x128xf32, #tpu.memory_space<vmem_shared>>
    tpu.wait_dma2 semaphore(%arg26 : memref<!tpu.dma_semaphore, #tpu.memory_space<semaphore_mem>>) src(%dma_wait3A_152 : memref<624x128xf32, #tpu.memory_space<vmem_shared>>) dst(%dma_wait3A_150 : memref<624x128xf32, #tpu.memory_space<hbm>>)
    %dma_wait3A_153 = arith.constant 0 : i32
    %dma_wait3A_154 = tpu.memref_slice %arg14[%arg0, %multiple_of3A, %dma_wait3A_153] : memref<2x10000x8xf32, #tpu.memory_space<hbm>> -> memref<1x624x8xf32, #tpu.memory_space<hbm>>
    %dma_wait3A_155 = tpu.memref_squeeze %dma_wait3A_154 : memref<1x624x8xf32, #tpu.memory_space<hbm>> -> memref<624x8xf32, #tpu.memory_space<hbm>>
    %dma_wait3A_156 = arith.constant 0 : i32
    %dma_wait3A_157 = tpu.memref_slice %arg20[%multiple_of3A, %dma_wait3A_156] : memref<10016x8xf32, #tpu.memory_space<vmem_shared>> -> memref<624x8xf32, #tpu.memory_space<vmem_shared>>
    tpu.wait_dma2 semaphore(%arg27 : memref<!tpu.dma_semaphore, #tpu.memory_space<semaphore_mem>>) src(%dma_wait3A_157 : memref<624x8xf32, #tpu.memory_space<vmem_shared>>) dst(%dma_wait3A_155 : memref<624x8xf32, #tpu.memory_space<hbm>>)
    %barrier3A_158 = arith.constant 0 : index
    tpu.barrier barrier_id(%barrier3A_158)
    %dma_start3A_159 = arith.constant 0 : i32
    %dma_start3A_160 = tpu.memref_slice %arg19[%multiple_of3A, %dma_start3A_159] : memref<10016x128xf32, #tpu.memory_space<vmem_shared>> -> memref<624x128xf32, #tpu.memory_space<vmem_shared>>
    tpu.enqueue_dma source(%arg4 : memref<624x128xf32, #tpu.memory_space<hbm>>) target(%dma_start3A_160 : memref<624x128xf32, #tpu.memory_space<vmem_shared>>) target_semaphore(%arg26 : memref<!tpu.dma_semaphore, #tpu.memory_space<semaphore_mem>>)
    %dma_start3A_161 = arith.constant 0 : i32
    %dma_start3A_162 = tpu.memref_slice %arg20[%multiple_of3A, %dma_start3A_161] : memref<10016x8xf32, #tpu.memory_space<vmem_shared>> -> memref<624x8xf32, #tpu.memory_space<vmem_shared>>
    tpu.enqueue_dma source(%arg5 : memref<624x8xf32, #tpu.memory_space<hbm>>) target(%dma_start3A_162 : memref<624x8xf32, #tpu.memory_space<vmem_shared>>) target_semaphore(%arg27 : memref<!tpu.dma_semaphore, #tpu.memory_space<semaphore_mem>>)
    %dma_start3A_163 = arith.constant 0 : i32
    %dma_start3A_164 = arith.constant 0 : i32
    %dma_start3A_165 = tpu.memref_slice %arg9[%add3A, %dma_start3A_163, %dma_start3A_164] : memref<32x114x88xi32, #tpu.memory_space<hbm>> -> memref<1x114x88xi32, #tpu.memory_space<hbm>>
    %dma_start3A_166 = tpu.memref_squeeze %dma_start3A_165 : memref<1x114x88xi32, #tpu.memory_space<hbm>> -> memref<114x88xi32, #tpu.memory_space<hbm>>
    %dma_start3A_167 = arith.constant 0 : i32
    %dma_start3A_168 = arith.constant 0 : i32
    %dma_start3A_169 = tpu.memref_slice %arg9[%add3A, %dma_start3A_167, %dma_start3A_168] : memref<32x114x88xi32, #tpu.memory_space<hbm>> -> memref<1x114x88xi32, #tpu.memory_space<hbm>>
    %dma_start3A_170 = tpu.memref_squeeze %dma_start3A_169 : memref<1x114x88xi32, #tpu.memory_space<hbm>> -> memref<114x88xi32, #tpu.memory_space<hbm>>
    tpu.enqueue_dma source(%dma_start3A_170 : memref<114x88xi32, #tpu.memory_space<hbm>>) target(%arg21 : memref<114x88xi32, #tpu.memory_space<vmem>>) target_semaphore(%arg28 : memref<!tpu.dma_semaphore, #tpu.memory_space<semaphore_mem>>)
    %dma_start3A_171 = arith.constant 0 : i32
    %dma_start3A_172 = arith.constant 0 : i32
    %dma_start3A_173 = tpu.memref_slice %arg10[%add3A, %dma_start3A_171, %dma_start3A_172] : memref<32x114x88xi32, #tpu.memory_space<hbm>> -> memref<1x114x88xi32, #tpu.memory_space<hbm>>
    %dma_start3A_174 = tpu.memref_squeeze %dma_start3A_173 : memref<1x114x88xi32, #tpu.memory_space<hbm>> -> memref<114x88xi32, #tpu.memory_space<hbm>>
    %dma_start3A_175 = arith.constant 0 : i32
    %dma_start3A_176 = arith.constant 0 : i32
    %dma_start3A_177 = tpu.memref_slice %arg10[%add3A, %dma_start3A_175, %dma_start3A_176] : memref<32x114x88xi32, #tpu.memory_space<hbm>> -> memref<1x114x88xi32, #tpu.memory_space<hbm>>
    %dma_start3A_178 = tpu.memref_squeeze %dma_start3A_177 : memref<1x114x88xi32, #tpu.memory_space<hbm>> -> memref<114x88xi32, #tpu.memory_space<hbm>>
    tpu.enqueue_dma source(%dma_start3A_178 : memref<114x88xi32, #tpu.memory_space<hbm>>) target(%arg22 : memref<114x88xi32, #tpu.memory_space<vmem>>) target_semaphore(%arg29 : memref<!tpu.dma_semaphore, #tpu.memory_space<semaphore_mem>>)
    %eq3A_179 = arith.constant 0 : i32
    %eq3A_180 = arith.cmpi eq, %arg1, %eq3A_179 : i32
    %convert_element_type3A_181 = arith.extui %eq3A_180 : i1 to i32
    %cond3A_182 = arith.constant 0 : i32
    %cond3A_183 = arith.cmpi ne, %convert_element_type3A_181, %cond3A_182 : i32
    scf.if %cond3A_183 {
      %dma_start3A_485 = arith.constant 9984 : i32
      %dma_start3A_486 = arith.constant 0 : i32
      %dma_start3A_487 = tpu.memref_slice %arg19[%dma_start3A_485, %dma_start3A_486] : memref<10016x128xf32, #tpu.memory_space<vmem_shared>> -> memref<16x128xf32, #tpu.memory_space<vmem_shared>>
      %dma_start3A_488 = arith.constant 0 : i32
      %dma_start3A_489 = arith.constant 0 : i32
      %dma_start3A_490 = tpu.memref_slice %arg4[%dma_start3A_488, %dma_start3A_489] : memref<624x128xf32, #tpu.memory_space<hbm>> -> memref<16x128xf32, #tpu.memory_space<hbm>>
      tpu.enqueue_dma source(%dma_start3A_490 : memref<16x128xf32, #tpu.memory_space<hbm>>) target(%dma_start3A_487 : memref<16x128xf32, #tpu.memory_space<vmem_shared>>) target_semaphore(%arg26 : memref<!tpu.dma_semaphore, #tpu.memory_space<semaphore_mem>>)
      %dma_wait3A_491 = arith.constant 9984 : i32
      %dma_wait3A_492 = arith.constant 0 : i32
      %dma_wait3A_493 = tpu.memref_slice %arg19[%dma_wait3A_491, %dma_wait3A_492] : memref<10016x128xf32, #tpu.memory_space<vmem_shared>> -> memref<16x128xf32, #tpu.memory_space<vmem_shared>>
      %dma_wait3A_494 = arith.constant 0 : i32
      %dma_wait3A_495 = arith.constant 0 : i32
      %dma_wait3A_496 = tpu.memref_slice %arg4[%dma_wait3A_494, %dma_wait3A_495] : memref<624x128xf32, #tpu.memory_space<hbm>> -> memref<16x128xf32, #tpu.memory_space<hbm>>
      tpu.wait_dma2 semaphore(%arg26 : memref<!tpu.dma_semaphore, #tpu.memory_space<semaphore_mem>>) src(%dma_wait3A_496 : memref<16x128xf32, #tpu.memory_space<hbm>>) dst(%dma_wait3A_493 : memref<16x128xf32, #tpu.memory_space<vmem_shared>>)
      %dma_start3A_497 = arith.constant 9984 : i32
      %dma_start3A_498 = arith.constant 0 : i32
      %dma_start3A_499 = tpu.memref_slice %arg20[%dma_start3A_497, %dma_start3A_498] : memref<10016x8xf32, #tpu.memory_space<vmem_shared>> -> memref<16x8xf32, #tpu.memory_space<vmem_shared>>
      %dma_start3A_500 = arith.constant 0 : i32
      %dma_start3A_501 = arith.constant 0 : i32
      %dma_start3A_502 = tpu.memref_slice %arg5[%dma_start3A_500, %dma_start3A_501] : memref<624x8xf32, #tpu.memory_space<hbm>> -> memref<16x8xf32, #tpu.memory_space<hbm>>
      tpu.enqueue_dma source(%dma_start3A_502 : memref<16x8xf32, #tpu.memory_space<hbm>>) target(%dma_start3A_499 : memref<16x8xf32, #tpu.memory_space<vmem_shared>>) target_semaphore(%arg27 : memref<!tpu.dma_semaphore, #tpu.memory_space<semaphore_mem>>)
      %dma_wait3A_503 = arith.constant 9984 : i32
      %dma_wait3A_504 = arith.constant 0 : i32
      %dma_wait3A_505 = tpu.memref_slice %arg20[%dma_wait3A_503, %dma_wait3A_504] : memref<10016x8xf32, #tpu.memory_space<vmem_shared>> -> memref<16x8xf32, #tpu.memory_space<vmem_shared>>
      %dma_wait3A_506 = arith.constant 0 : i32
      %dma_wait3A_507 = arith.constant 0 : i32
      %dma_wait3A_508 = tpu.memref_slice %arg5[%dma_wait3A_506, %dma_wait3A_507] : memref<624x8xf32, #tpu.memory_space<hbm>> -> memref<16x8xf32, #tpu.memory_space<hbm>>
      tpu.wait_dma2 semaphore(%arg27 : memref<!tpu.dma_semaphore, #tpu.memory_space<semaphore_mem>>) src(%dma_wait3A_508 : memref<16x8xf32, #tpu.memory_space<hbm>>) dst(%dma_wait3A_505 : memref<16x8xf32, #tpu.memory_space<vmem_shared>>)
    } else {
    }
    %dma_wait3A_184 = arith.constant 0 : i32
    %dma_wait3A_185 = tpu.memref_slice %arg19[%multiple_of3A, %dma_wait3A_184] : memref<10016x128xf32, #tpu.memory_space<vmem_shared>> -> memref<624x128xf32, #tpu.memory_space<vmem_shared>>
    tpu.wait_dma2 semaphore(%arg26 : memref<!tpu.dma_semaphore, #tpu.memory_space<semaphore_mem>>) src(%arg4 : memref<624x128xf32, #tpu.memory_space<hbm>>) dst(%dma_wait3A_185 : memref<624x128xf32, #tpu.memory_space<vmem_shared>>)
    %dma_wait3A_186 = arith.constant 0 : i32
    %dma_wait3A_187 = tpu.memref_slice %arg20[%multiple_of3A, %dma_wait3A_186] : memref<10016x8xf32, #tpu.memory_space<vmem_shared>> -> memref<624x8xf32, #tpu.memory_space<vmem_shared>>
    tpu.wait_dma2 semaphore(%arg27 : memref<!tpu.dma_semaphore, #tpu.memory_space<semaphore_mem>>) src(%arg5 : memref<624x8xf32, #tpu.memory_space<hbm>>) dst(%dma_wait3A_187 : memref<624x8xf32, #tpu.memory_space<vmem_shared>>)
    %dma_wait3A_188 = arith.constant 0 : i32
    %dma_wait3A_189 = arith.constant 0 : i32
    %dma_wait3A_190 = tpu.memref_slice %arg9[%add3A, %dma_wait3A_188, %dma_wait3A_189] : memref<32x114x88xi32, #tpu.memory_space<hbm>> -> memref<1x114x88xi32, #tpu.memory_space<hbm>>
    %dma_wait3A_191 = tpu.memref_squeeze %dma_wait3A_190 : memref<1x114x88xi32, #tpu.memory_space<hbm>> -> memref<114x88xi32, #tpu.memory_space<hbm>>
    %dma_wait3A_192 = arith.constant 0 : i32
    %dma_wait3A_193 = arith.constant 0 : i32
    %dma_wait3A_194 = tpu.memref_slice %arg9[%add3A, %dma_wait3A_192, %dma_wait3A_193] : memref<32x114x88xi32, #tpu.memory_space<hbm>> -> memref<1x114x88xi32, #tpu.memory_space<hbm>>
    %dma_wait3A_195 = tpu.memref_squeeze %dma_wait3A_194 : memref<1x114x88xi32, #tpu.memory_space<hbm>> -> memref<114x88xi32, #tpu.memory_space<hbm>>
    tpu.wait_dma2 semaphore(%arg28 : memref<!tpu.dma_semaphore, #tpu.memory_space<semaphore_mem>>) src(%dma_wait3A_195 : memref<114x88xi32, #tpu.memory_space<hbm>>) dst(%arg21 : memref<114x88xi32, #tpu.memory_space<vmem>>)
    %dma_wait3A_196 = arith.constant 0 : i32
    %dma_wait3A_197 = arith.constant 0 : i32
    %dma_wait3A_198 = tpu.memref_slice %arg10[%add3A, %dma_wait3A_196, %dma_wait3A_197] : memref<32x114x88xi32, #tpu.memory_space<hbm>> -> memref<1x114x88xi32, #tpu.memory_space<hbm>>
    %dma_wait3A_199 = tpu.memref_squeeze %dma_wait3A_198 : memref<1x114x88xi32, #tpu.memory_space<hbm>> -> memref<114x88xi32, #tpu.memory_space<hbm>>
    %dma_wait3A_200 = arith.constant 0 : i32
    %dma_wait3A_201 = arith.constant 0 : i32
    %dma_wait3A_202 = tpu.memref_slice %arg10[%add3A, %dma_wait3A_200, %dma_wait3A_201] : memref<32x114x88xi32, #tpu.memory_space<hbm>> -> memref<1x114x88xi32, #tpu.memory_space<hbm>>
    %dma_wait3A_203 = tpu.memref_squeeze %dma_wait3A_202 : memref<1x114x88xi32, #tpu.memory_space<hbm>> -> memref<114x88xi32, #tpu.memory_space<hbm>>
    tpu.wait_dma2 semaphore(%arg29 : memref<!tpu.dma_semaphore, #tpu.memory_space<semaphore_mem>>) src(%dma_wait3A_203 : memref<114x88xi32, #tpu.memory_space<hbm>>) dst(%arg22 : memref<114x88xi32, #tpu.memory_space<vmem>>)
    %barrier3A_204 = arith.constant 0 : index
    tpu.barrier barrier_id(%barrier3A_204)
    %dma_start3A_205 = arith.constant 0 : i32
    %dma_start3A_206 = arith.constant 0 : i32
    %dma_start3A_207 = tpu.memref_slice %arg21[%dma_start3A_205, %dma_start3A_206] : memref<114x88xi32, #tpu.memory_space<vmem>> -> memref<1x88xi32, #tpu.memory_space<vmem>>
    %dma_start3A_208 = tpu.memref_squeeze %dma_start3A_207 : memref<1x88xi32, #tpu.memory_space<vmem>> -> memref<88xi32, #tpu.memory_space<vmem>>
    %dma_start3A_209 = arith.constant 0 : i32
    %dma_start3A_210 = arith.constant 0 : i32
    %dma_start3A_211 = tpu.memref_slice %arg2[%dma_start3A_209, %dma_start3A_210] : memref<10000x128xf32, #tpu.memory_space<hbm>> -> memref<10000x128xf32, #tpu.memory_space<hbm>>
    tpu.enqueue_indirect_dma source(%dma_start3A_211 : memref<10000x128xf32, #tpu.memory_space<hbm>>) target(%arg23 : memref<88x128xf32, #tpu.memory_space<vmem>>) offsets(%dma_start3A_208 : memref<88xi32, #tpu.memory_space<vmem>>) semaphore(%arg26 : memref<!tpu.dma_semaphore, #tpu.memory_space<semaphore_mem>>)
    %dma_start3A_212 = arith.constant 1 : i32
    %dma_start3A_213 = arith.constant 0 : i32
    %dma_start3A_214 = tpu.memref_slice %arg21[%dma_start3A_212, %dma_start3A_213] : memref<114x88xi32, #tpu.memory_space<vmem>> -> memref<1x88xi32, #tpu.memory_space<vmem>>
    %dma_start3A_215 = tpu.memref_squeeze %dma_start3A_214 : memref<1x88xi32, #tpu.memory_space<vmem>> -> memref<88xi32, #tpu.memory_space<vmem>>
    %dma_start3A_216 = arith.constant 0 : i32
    %dma_start3A_217 = arith.constant 0 : i32
    %dma_start3A_218 = tpu.memref_slice %arg2[%dma_start3A_216, %dma_start3A_217] : memref<10000x128xf32, #tpu.memory_space<hbm>> -> memref<10000x128xf32, #tpu.memory_space<hbm>>
    tpu.enqueue_indirect_dma source(%dma_start3A_218 : memref<10000x128xf32, #tpu.memory_space<hbm>>) target(%arg24 : memref<88x128xf32, #tpu.memory_space<vmem>>) offsets(%dma_start3A_215 : memref<88xi32, #tpu.memory_space<vmem>>) semaphore(%arg27 : memref<!tpu.dma_semaphore, #tpu.memory_space<semaphore_mem>>)
    %scan3A_219 = arith.constant 0 : i32
    %scan3A_220 = arith.constant 0 : i32
    %scan3A_221 = arith.constant 56 : i32
    %scan3A_222 = arith.addi %scan3A_220, %scan3A_221 : i32
    %scan3A_223 = arith.constant 1 : i32
    scf.for %scan3A_485 = %scan3A_220 to %scan3A_222 step %scan3A_223  : i32 {
      %mul3A_486 = arith.constant 2 : i32
      %mul3A_487 = arith.muli %mul3A_486, %scan3A_485 : i32
      %dma_wait3A_488 = arith.constant 0 : i32
      %dma_wait3A_489 = arith.constant 0 : i32
      %dma_wait3A_490 = tpu.memref_slice %arg21[%dma_wait3A_488, %dma_wait3A_489] : memref<114x88xi32, #tpu.memory_space<vmem>> -> memref<1x88xi32, #tpu.memory_space<vmem>>
      %dma_wait3A_491 = tpu.memref_squeeze %dma_wait3A_490 : memref<1x88xi32, #tpu.memory_space<vmem>> -> memref<88xi32, #tpu.memory_space<vmem>>
      %dma_wait3A_492 = arith.constant 0 : i32
      %dma_wait3A_493 = arith.constant 0 : i32
      %dma_wait3A_494 = tpu.memref_slice %arg2[%dma_wait3A_492, %dma_wait3A_493] : memref<10000x128xf32, #tpu.memory_space<hbm>> -> memref<10000x128xf32, #tpu.memory_space<hbm>>
      tpu.wait_indirect_dma semaphore(%arg26 : memref<!tpu.dma_semaphore, #tpu.memory_space<semaphore_mem>>) src(%dma_wait3A_494 : memref<10000x128xf32, #tpu.memory_space<hbm>>) dst(%arg23 : memref<88x128xf32, #tpu.memory_space<vmem>>)
      %dma_start3A_495 = arith.constant 0 : i32
      %dma_start3A_496 = tpu.memref_slice %arg22[%mul3A_487, %dma_start3A_495] : memref<114x88xi32, #tpu.memory_space<vmem>> -> memref<1x88xi32, #tpu.memory_space<vmem>>
      %dma_start3A_497 = tpu.memref_squeeze %dma_start3A_496 : memref<1x88xi32, #tpu.memory_space<vmem>> -> memref<88xi32, #tpu.memory_space<vmem>>
      %dma_start3A_498 = arith.constant 0 : i32
      %dma_start3A_499 = arith.constant 0 : i32
      %dma_start3A_500 = tpu.memref_slice %arg19[%dma_start3A_498, %dma_start3A_499] : memref<10016x128xf32, #tpu.memory_space<vmem_shared>> -> memref<10016x128xf32, #tpu.memory_space<vmem_shared>>
      tpu.enqueue_indirect_dma source(%arg23 : memref<88x128xf32, #tpu.memory_space<vmem>>) target(%dma_start3A_500 : memref<10016x128xf32, #tpu.memory_space<vmem_shared>>) offsets(%dma_start3A_497 : memref<88xi32, #tpu.memory_space<vmem>>) semaphore(%arg28 : memref<!tpu.dma_semaphore, #tpu.memory_space<semaphore_mem>>) {add = true}
      %dma_start3A_501 = arith.constant 0 : i32
      %dma_start3A_502 = tpu.memref_slice %arg22[%mul3A_487, %dma_start3A_501] : memref<114x88xi32, #tpu.memory_space<vmem>> -> memref<1x88xi32, #tpu.memory_space<vmem>>
      %dma_start3A_503 = tpu.memref_squeeze %dma_start3A_502 : memref<1x88xi32, #tpu.memory_space<vmem>> -> memref<88xi32, #tpu.memory_space<vmem>>
      %dma_start3A_504 = arith.constant 0 : i32
      %dma_start3A_505 = arith.constant 0 : i32
      %dma_start3A_506 = tpu.memref_slice %arg20[%dma_start3A_504, %dma_start3A_505] : memref<10016x8xf32, #tpu.memory_space<vmem_shared>> -> memref<10016x8xf32, #tpu.memory_space<vmem_shared>>
      tpu.enqueue_indirect_dma source(%arg25 : memref<88x8xf32, #tpu.memory_space<vmem>>) target(%dma_start3A_506 : memref<10016x8xf32, #tpu.memory_space<vmem_shared>>) offsets(%dma_start3A_503 : memref<88xi32, #tpu.memory_space<vmem>>) semaphore(%arg28 : memref<!tpu.dma_semaphore, #tpu.memory_space<semaphore_mem>>) {add = true}
      %dma_wait3A_507 = arith.constant 0 : i32
      %dma_wait3A_508 = arith.constant 0 : i32
      %dma_wait3A_509 = tpu.memref_slice %arg21[%dma_wait3A_507, %dma_wait3A_508] : memref<114x88xi32, #tpu.memory_space<vmem>> -> memref<1x88xi32, #tpu.memory_space<vmem>>
      %dma_wait3A_510 = tpu.memref_squeeze %dma_wait3A_509 : memref<1x88xi32, #tpu.memory_space<vmem>> -> memref<88xi32, #tpu.memory_space<vmem>>
      %dma_wait3A_511 = arith.constant 0 : i32
      %dma_wait3A_512 = arith.constant 0 : i32
      %dma_wait3A_513 = tpu.memref_slice %arg2[%dma_wait3A_511, %dma_wait3A_512] : memref<10000x128xf32, #tpu.memory_space<hbm>> -> memref<10000x128xf32, #tpu.memory_space<hbm>>
      tpu.wait_indirect_dma semaphore(%arg27 : memref<!tpu.dma_semaphore, #tpu.memory_space<semaphore_mem>>) src(%dma_wait3A_513 : memref<10000x128xf32, #tpu.memory_space<hbm>>) dst(%arg24 : memref<88x128xf32, #tpu.memory_space<vmem>>)
      %add3A_514 = arith.constant 1 : i32
      %add3A_515 = arith.addi %mul3A_487, %add3A_514 : i32
      %dma_start3A_516 = arith.constant 0 : i32
      %dma_start3A_517 = tpu.memref_slice %arg22[%add3A_515, %dma_start3A_516] : memref<114x88xi32, #tpu.memory_space<vmem>> -> memref<1x88xi32, #tpu.memory_space<vmem>>
      %dma_start3A_518 = tpu.memref_squeeze %dma_start3A_517 : memref<1x88xi32, #tpu.memory_space<vmem>> -> memref<88xi32, #tpu.memory_space<vmem>>
      %dma_start3A_519 = arith.constant 0 : i32
      %dma_start3A_520 = arith.constant 0 : i32
      %dma_start3A_521 = tpu.memref_slice %arg19[%dma_start3A_519, %dma_start3A_520] : memref<10016x128xf32, #tpu.memory_space<vmem_shared>> -> memref<10016x128xf32, #tpu.memory_space<vmem_shared>>
      tpu.enqueue_indirect_dma source(%arg24 : memref<88x128xf32, #tpu.memory_space<vmem>>) target(%dma_start3A_521 : memref<10016x128xf32, #tpu.memory_space<vmem_shared>>) offsets(%dma_start3A_518 : memref<88xi32, #tpu.memory_space<vmem>>) semaphore(%arg29 : memref<!tpu.dma_semaphore, #tpu.memory_space<semaphore_mem>>) {add = true}
      %dma_start3A_522 = arith.constant 0 : i32
      %dma_start3A_523 = tpu.memref_slice %arg22[%add3A_515, %dma_start3A_522] : memref<114x88xi32, #tpu.memory_space<vmem>> -> memref<1x88xi32, #tpu.memory_space<vmem>>
      %dma_start3A_524 = tpu.memref_squeeze %dma_start3A_523 : memref<1x88xi32, #tpu.memory_space<vmem>> -> memref<88xi32, #tpu.memory_space<vmem>>
      %dma_start3A_525 = arith.constant 0 : i32
      %dma_start3A_526 = arith.constant 0 : i32
      %dma_start3A_527 = tpu.memref_slice %arg20[%dma_start3A_525, %dma_start3A_526] : memref<10016x8xf32, #tpu.memory_space<vmem_shared>> -> memref<10016x8xf32, #tpu.memory_space<vmem_shared>>
      tpu.enqueue_indirect_dma source(%arg25 : memref<88x8xf32, #tpu.memory_space<vmem>>) target(%dma_start3A_527 : memref<10016x8xf32, #tpu.memory_space<vmem_shared>>) offsets(%dma_start3A_524 : memref<88xi32, #tpu.memory_space<vmem>>) semaphore(%arg29 : memref<!tpu.dma_semaphore, #tpu.memory_space<semaphore_mem>>) {add = true}
      %dma_wait3A_528 = arith.constant 0 : i32
      %dma_wait3A_529 = arith.constant 0 : i32
      %dma_wait3A_530 = tpu.memref_slice %arg22[%dma_wait3A_528, %dma_wait3A_529] : memref<114x88xi32, #tpu.memory_space<vmem>> -> memref<1x88xi32, #tpu.memory_space<vmem>>
      %dma_wait3A_531 = tpu.memref_squeeze %dma_wait3A_530 : memref<1x88xi32, #tpu.memory_space<vmem>> -> memref<88xi32, #tpu.memory_space<vmem>>
      %dma_wait3A_532 = arith.constant 0 : i32
      %dma_wait3A_533 = arith.constant 0 : i32
      %dma_wait3A_534 = tpu.memref_slice %arg19[%dma_wait3A_532, %dma_wait3A_533] : memref<10016x128xf32, #tpu.memory_space<vmem_shared>> -> memref<10016x128xf32, #tpu.memory_space<vmem_shared>>
      tpu.wait_indirect_dma semaphore(%arg28 : memref<!tpu.dma_semaphore, #tpu.memory_space<semaphore_mem>>) src(%arg23 : memref<88x128xf32, #tpu.memory_space<vmem>>) dst(%dma_wait3A_534 : memref<10016x128xf32, #tpu.memory_space<vmem_shared>>)
      %dma_wait3A_535 = arith.constant 0 : i32
      %dma_wait3A_536 = arith.constant 0 : i32
      %dma_wait3A_537 = tpu.memref_slice %arg22[%dma_wait3A_535, %dma_wait3A_536] : memref<114x88xi32, #tpu.memory_space<vmem>> -> memref<1x88xi32, #tpu.memory_space<vmem>>
      %dma_wait3A_538 = tpu.memref_squeeze %dma_wait3A_537 : memref<1x88xi32, #tpu.memory_space<vmem>> -> memref<88xi32, #tpu.memory_space<vmem>>
      %dma_wait3A_539 = arith.constant 0 : i32
      %dma_wait3A_540 = arith.constant 0 : i32
      %dma_wait3A_541 = tpu.memref_slice %arg20[%dma_wait3A_539, %dma_wait3A_540] : memref<10016x8xf32, #tpu.memory_space<vmem_shared>> -> memref<10016x8xf32, #tpu.memory_space<vmem_shared>>
      tpu.wait_indirect_dma semaphore(%arg28 : memref<!tpu.dma_semaphore, #tpu.memory_space<semaphore_mem>>) src(%arg25 : memref<88x8xf32, #tpu.memory_space<vmem>>) dst(%dma_wait3A_541 : memref<10016x8xf32, #tpu.memory_space<vmem_shared>>)
      %add3A_542 = arith.constant 2 : i32
      %add3A_543 = arith.addi %mul3A_487, %add3A_542 : i32
      %dma_start3A_544 = arith.constant 0 : i32
      %dma_start3A_545 = tpu.memref_slice %arg21[%add3A_543, %dma_start3A_544] : memref<114x88xi32, #tpu.memory_space<vmem>> -> memref<1x88xi32, #tpu.memory_space<vmem>>
      %dma_start3A_546 = tpu.memref_squeeze %dma_start3A_545 : memref<1x88xi32, #tpu.memory_space<vmem>> -> memref<88xi32, #tpu.memory_space<vmem>>
      %dma_start3A_547 = arith.constant 0 : i32
      %dma_start3A_548 = arith.constant 0 : i32
      %dma_start3A_549 = tpu.memref_slice %arg2[%dma_start3A_547, %dma_start3A_548] : memref<10000x128xf32, #tpu.memory_space<hbm>> -> memref<10000x128xf32, #tpu.memory_space<hbm>>
      tpu.enqueue_indirect_dma source(%dma_start3A_549 : memref<10000x128xf32, #tpu.memory_space<hbm>>) target(%arg23 : memref<88x128xf32, #tpu.memory_space<vmem>>) offsets(%dma_start3A_546 : memref<88xi32, #tpu.memory_space<vmem>>) semaphore(%arg26 : memref<!tpu.dma_semaphore, #tpu.memory_space<semaphore_mem>>)
      %dma_wait3A_550 = arith.constant 0 : i32
      %dma_wait3A_551 = arith.constant 0 : i32
      %dma_wait3A_552 = tpu.memref_slice %arg22[%dma_wait3A_550, %dma_wait3A_551] : memref<114x88xi32, #tpu.memory_space<vmem>> -> memref<1x88xi32, #tpu.memory_space<vmem>>
      %dma_wait3A_553 = tpu.memref_squeeze %dma_wait3A_552 : memref<1x88xi32, #tpu.memory_space<vmem>> -> memref<88xi32, #tpu.memory_space<vmem>>
      %dma_wait3A_554 = arith.constant 0 : i32
      %dma_wait3A_555 = arith.constant 0 : i32
      %dma_wait3A_556 = tpu.memref_slice %arg19[%dma_wait3A_554, %dma_wait3A_555] : memref<10016x128xf32, #tpu.memory_space<vmem_shared>> -> memref<10016x128xf32, #tpu.memory_space<vmem_shared>>
      tpu.wait_indirect_dma semaphore(%arg29 : memref<!tpu.dma_semaphore, #tpu.memory_space<semaphore_mem>>) src(%arg24 : memref<88x128xf32, #tpu.memory_space<vmem>>) dst(%dma_wait3A_556 : memref<10016x128xf32, #tpu.memory_space<vmem_shared>>)
      %dma_wait3A_557 = arith.constant 0 : i32
      %dma_wait3A_558 = arith.constant 0 : i32
      %dma_wait3A_559 = tpu.memref_slice %arg22[%dma_wait3A_557, %dma_wait3A_558] : memref<114x88xi32, #tpu.memory_space<vmem>> -> memref<1x88xi32, #tpu.memory_space<vmem>>
      %dma_wait3A_560 = tpu.memref_squeeze %dma_wait3A_559 : memref<1x88xi32, #tpu.memory_space<vmem>> -> memref<88xi32, #tpu.memory_space<vmem>>
      %dma_wait3A_561 = arith.constant 0 : i32
      %dma_wait3A_562 = arith.constant 0 : i32
      %dma_wait3A_563 = tpu.memref_slice %arg20[%dma_wait3A_561, %dma_wait3A_562] : memref<10016x8xf32, #tpu.memory_space<vmem_shared>> -> memref<10016x8xf32, #tpu.memory_space<vmem_shared>>
      tpu.wait_indirect_dma semaphore(%arg29 : memref<!tpu.dma_semaphore, #tpu.memory_space<semaphore_mem>>) src(%arg25 : memref<88x8xf32, #tpu.memory_space<vmem>>) dst(%dma_wait3A_563 : memref<10016x8xf32, #tpu.memory_space<vmem_shared>>)
      %add3A_564 = arith.constant 3 : i32
      %add3A_565 = arith.addi %mul3A_487, %add3A_564 : i32
      %dma_start3A_566 = arith.constant 0 : i32
      %dma_start3A_567 = tpu.memref_slice %arg21[%add3A_565, %dma_start3A_566] : memref<114x88xi32, #tpu.memory_space<vmem>> -> memref<1x88xi32, #tpu.memory_space<vmem>>
      %dma_start3A_568 = tpu.memref_squeeze %dma_start3A_567 : memref<1x88xi32, #tpu.memory_space<vmem>> -> memref<88xi32, #tpu.memory_space<vmem>>
      %dma_start3A_569 = arith.constant 0 : i32
      %dma_start3A_570 = arith.constant 0 : i32
      %dma_start3A_571 = tpu.memref_slice %arg2[%dma_start3A_569, %dma_start3A_570] : memref<10000x128xf32, #tpu.memory_space<hbm>> -> memref<10000x128xf32, #tpu.memory_space<hbm>>
      tpu.enqueue_indirect_dma source(%dma_start3A_571 : memref<10000x128xf32, #tpu.memory_space<hbm>>) target(%arg24 : memref<88x128xf32, #tpu.memory_space<vmem>>) offsets(%dma_start3A_568 : memref<88xi32, #tpu.memory_space<vmem>>) semaphore(%arg27 : memref<!tpu.dma_semaphore, #tpu.memory_space<semaphore_mem>>)
    }
    %scan3A_224 = arith.constant 56 : i32
    %dma_wait3A_225 = arith.constant 0 : i32
    %dma_wait3A_226 = arith.constant 0 : i32
    %dma_wait3A_227 = tpu.memref_slice %arg21[%dma_wait3A_225, %dma_wait3A_226] : memref<114x88xi32, #tpu.memory_space<vmem>> -> memref<1x88xi32, #tpu.memory_space<vmem>>
    %dma_wait3A_228 = tpu.memref_squeeze %dma_wait3A_227 : memref<1x88xi32, #tpu.memory_space<vmem>> -> memref<88xi32, #tpu.memory_space<vmem>>
    %dma_wait3A_229 = arith.constant 0 : i32
    %dma_wait3A_230 = arith.constant 0 : i32
    %dma_wait3A_231 = tpu.memref_slice %arg2[%dma_wait3A_229, %dma_wait3A_230] : memref<10000x128xf32, #tpu.memory_space<hbm>> -> memref<10000x128xf32, #tpu.memory_space<hbm>>
    tpu.wait_indirect_dma semaphore(%arg26 : memref<!tpu.dma_semaphore, #tpu.memory_space<semaphore_mem>>) src(%dma_wait3A_231 : memref<10000x128xf32, #tpu.memory_space<hbm>>) dst(%arg23 : memref<88x128xf32, #tpu.memory_space<vmem>>)
    %dma_start3A_232 = arith.constant 112 : i32
    %dma_start3A_233 = arith.constant 0 : i32
    %dma_start3A_234 = tpu.memref_slice %arg22[%dma_start3A_232, %dma_start3A_233] : memref<114x88xi32, #tpu.memory_space<vmem>> -> memref<1x88xi32, #tpu.memory_space<vmem>>
    %dma_start3A_235 = tpu.memref_squeeze %dma_start3A_234 : memref<1x88xi32, #tpu.memory_space<vmem>> -> memref<88xi32, #tpu.memory_space<vmem>>
    %dma_start3A_236 = arith.constant 0 : i32
    %dma_start3A_237 = arith.constant 0 : i32
    %dma_start3A_238 = tpu.memref_slice %arg19[%dma_start3A_236, %dma_start3A_237] : memref<10016x128xf32, #tpu.memory_space<vmem_shared>> -> memref<10016x128xf32, #tpu.memory_space<vmem_shared>>
    tpu.enqueue_indirect_dma source(%arg23 : memref<88x128xf32, #tpu.memory_space<vmem>>) target(%dma_start3A_238 : memref<10016x128xf32, #tpu.memory_space<vmem_shared>>) offsets(%dma_start3A_235 : memref<88xi32, #tpu.memory_space<vmem>>) semaphore(%arg28 : memref<!tpu.dma_semaphore, #tpu.memory_space<semaphore_mem>>) {add = true}
    %dma_start3A_239 = arith.constant 112 : i32
    %dma_start3A_240 = arith.constant 0 : i32
    %dma_start3A_241 = tpu.memref_slice %arg22[%dma_start3A_239, %dma_start3A_240] : memref<114x88xi32, #tpu.memory_space<vmem>> -> memref<1x88xi32, #tpu.memory_space<vmem>>
    %dma_start3A_242 = tpu.memref_squeeze %dma_start3A_241 : memref<1x88xi32, #tpu.memory_space<vmem>> -> memref<88xi32, #tpu.memory_space<vmem>>
    %dma_start3A_243 = arith.constant 0 : i32
    %dma_start3A_244 = arith.constant 0 : i32
    %dma_start3A_245 = tpu.memref_slice %arg20[%dma_start3A_243, %dma_start3A_244] : memref<10016x8xf32, #tpu.memory_space<vmem_shared>> -> memref<10016x8xf32, #tpu.memory_space<vmem_shared>>
    tpu.enqueue_indirect_dma source(%arg25 : memref<88x8xf32, #tpu.memory_space<vmem>>) target(%dma_start3A_245 : memref<10016x8xf32, #tpu.memory_space<vmem_shared>>) offsets(%dma_start3A_242 : memref<88xi32, #tpu.memory_space<vmem>>) semaphore(%arg28 : memref<!tpu.dma_semaphore, #tpu.memory_space<semaphore_mem>>) {add = true}
    %dma_wait3A_246 = arith.constant 0 : i32
    %dma_wait3A_247 = arith.constant 0 : i32
    %dma_wait3A_248 = tpu.memref_slice %arg21[%dma_wait3A_246, %dma_wait3A_247] : memref<114x88xi32, #tpu.memory_space<vmem>> -> memref<1x88xi32, #tpu.memory_space<vmem>>
    %dma_wait3A_249 = tpu.memref_squeeze %dma_wait3A_248 : memref<1x88xi32, #tpu.memory_space<vmem>> -> memref<88xi32, #tpu.memory_space<vmem>>
    %dma_wait3A_250 = arith.constant 0 : i32
    %dma_wait3A_251 = arith.constant 0 : i32
    %dma_wait3A_252 = tpu.memref_slice %arg2[%dma_wait3A_250, %dma_wait3A_251] : memref<10000x128xf32, #tpu.memory_space<hbm>> -> memref<10000x128xf32, #tpu.memory_space<hbm>>
    tpu.wait_indirect_dma semaphore(%arg27 : memref<!tpu.dma_semaphore, #tpu.memory_space<semaphore_mem>>) src(%dma_wait3A_252 : memref<10000x128xf32, #tpu.memory_space<hbm>>) dst(%arg24 : memref<88x128xf32, #tpu.memory_space<vmem>>)
    %dma_start3A_253 = arith.constant 113 : i32
    %dma_start3A_254 = arith.constant 0 : i32
    %dma_start3A_255 = tpu.memref_slice %arg22[%dma_start3A_253, %dma_start3A_254] : memref<114x88xi32, #tpu.memory_space<vmem>> -> memref<1x88xi32, #tpu.memory_space<vmem>>
    %dma_start3A_256 = tpu.memref_squeeze %dma_start3A_255 : memref<1x88xi32, #tpu.memory_space<vmem>> -> memref<88xi32, #tpu.memory_space<vmem>>
    %dma_start3A_257 = arith.constant 0 : i32
    %dma_start3A_258 = arith.constant 0 : i32
    %dma_start3A_259 = tpu.memref_slice %arg19[%dma_start3A_257, %dma_start3A_258] : memref<10016x128xf32, #tpu.memory_space<vmem_shared>> -> memref<10016x128xf32, #tpu.memory_space<vmem_shared>>
    tpu.enqueue_indirect_dma source(%arg24 : memref<88x128xf32, #tpu.memory_space<vmem>>) target(%dma_start3A_259 : memref<10016x128xf32, #tpu.memory_space<vmem_shared>>) offsets(%dma_start3A_256 : memref<88xi32, #tpu.memory_space<vmem>>) semaphore(%arg29 : memref<!tpu.dma_semaphore, #tpu.memory_space<semaphore_mem>>) {add = true}
    %dma_start3A_260 = arith.constant 113 : i32
    %dma_start3A_261 = arith.constant 0 : i32
    %dma_start3A_262 = tpu.memref_slice %arg22[%dma_start3A_260, %dma_start3A_261] : memref<114x88xi32, #tpu.memory_space<vmem>> -> memref<1x88xi32, #tpu.memory_space<vmem>>
    %dma_start3A_263 = tpu.memref_squeeze %dma_start3A_262 : memref<1x88xi32, #tpu.memory_space<vmem>> -> memref<88xi32, #tpu.memory_space<vmem>>
    %dma_start3A_264 = arith.constant 0 : i32
    %dma_start3A_265 = arith.constant 0 : i32
    %dma_start3A_266 = tpu.memref_slice %arg20[%dma_start3A_264, %dma_start3A_265] : memref<10016x8xf32, #tpu.memory_space<vmem_shared>> -> memref<10016x8xf32, #tpu.memory_space<vmem_shared>>
    tpu.enqueue_indirect_dma source(%arg25 : memref<88x8xf32, #tpu.memory_space<vmem>>) target(%dma_start3A_266 : memref<10016x8xf32, #tpu.memory_space<vmem_shared>>) offsets(%dma_start3A_263 : memref<88xi32, #tpu.memory_space<vmem>>) semaphore(%arg29 : memref<!tpu.dma_semaphore, #tpu.memory_space<semaphore_mem>>) {add = true}
    %dma_wait3A_267 = arith.constant 0 : i32
    %dma_wait3A_268 = arith.constant 0 : i32
    %dma_wait3A_269 = tpu.memref_slice %arg22[%dma_wait3A_267, %dma_wait3A_268] : memref<114x88xi32, #tpu.memory_space<vmem>> -> memref<1x88xi32, #tpu.memory_space<vmem>>
    %dma_wait3A_270 = tpu.memref_squeeze %dma_wait3A_269 : memref<1x88xi32, #tpu.memory_space<vmem>> -> memref<88xi32, #tpu.memory_space<vmem>>
    %dma_wait3A_271 = arith.constant 0 : i32
    %dma_wait3A_272 = arith.constant 0 : i32
    %dma_wait3A_273 = tpu.memref_slice %arg19[%dma_wait3A_271, %dma_wait3A_272] : memref<10016x128xf32, #tpu.memory_space<vmem_shared>> -> memref<10016x128xf32, #tpu.memory_space<vmem_shared>>
    tpu.wait_indirect_dma semaphore(%arg28 : memref<!tpu.dma_semaphore, #tpu.memory_space<semaphore_mem>>) src(%arg23 : memref<88x128xf32, #tpu.memory_space<vmem>>) dst(%dma_wait3A_273 : memref<10016x128xf32, #tpu.memory_space<vmem_shared>>)
    %dma_wait3A_274 = arith.constant 0 : i32
    %dma_wait3A_275 = arith.constant 0 : i32
    %dma_wait3A_276 = tpu.memref_slice %arg22[%dma_wait3A_274, %dma_wait3A_275] : memref<114x88xi32, #tpu.memory_space<vmem>> -> memref<1x88xi32, #tpu.memory_space<vmem>>
    %dma_wait3A_277 = tpu.memref_squeeze %dma_wait3A_276 : memref<1x88xi32, #tpu.memory_space<vmem>> -> memref<88xi32, #tpu.memory_space<vmem>>
    %dma_wait3A_278 = arith.constant 0 : i32
    %dma_wait3A_279 = arith.constant 0 : i32
    %dma_wait3A_280 = tpu.memref_slice %arg20[%dma_wait3A_278, %dma_wait3A_279] : memref<10016x8xf32, #tpu.memory_space<vmem_shared>> -> memref<10016x8xf32, #tpu.memory_space<vmem_shared>>
    tpu.wait_indirect_dma semaphore(%arg28 : memref<!tpu.dma_semaphore, #tpu.memory_space<semaphore_mem>>) src(%arg25 : memref<88x8xf32, #tpu.memory_space<vmem>>) dst(%dma_wait3A_280 : memref<10016x8xf32, #tpu.memory_space<vmem_shared>>)
    %dma_wait3A_281 = arith.constant 0 : i32
    %dma_wait3A_282 = arith.constant 0 : i32
    %dma_wait3A_283 = tpu.memref_slice %arg22[%dma_wait3A_281, %dma_wait3A_282] : memref<114x88xi32, #tpu.memory_space<vmem>> -> memref<1x88xi32, #tpu.memory_space<vmem>>
    %dma_wait3A_284 = tpu.memref_squeeze %dma_wait3A_283 : memref<1x88xi32, #tpu.memory_space<vmem>> -> memref<88xi32, #tpu.memory_space<vmem>>
    %dma_wait3A_285 = arith.constant 0 : i32
    %dma_wait3A_286 = arith.constant 0 : i32
    %dma_wait3A_287 = tpu.memref_slice %arg19[%dma_wait3A_285, %dma_wait3A_286] : memref<10016x128xf32, #tpu.memory_space<vmem_shared>> -> memref<10016x128xf32, #tpu.memory_space<vmem_shared>>
    tpu.wait_indirect_dma semaphore(%arg29 : memref<!tpu.dma_semaphore, #tpu.memory_space<semaphore_mem>>) src(%arg24 : memref<88x128xf32, #tpu.memory_space<vmem>>) dst(%dma_wait3A_287 : memref<10016x128xf32, #tpu.memory_space<vmem_shared>>)
    %dma_wait3A_288 = arith.constant 0 : i32
    %dma_wait3A_289 = arith.constant 0 : i32
    %dma_wait3A_290 = tpu.memref_slice %arg22[%dma_wait3A_288, %dma_wait3A_289] : memref<114x88xi32, #tpu.memory_space<vmem>> -> memref<1x88xi32, #tpu.memory_space<vmem>>
    %dma_wait3A_291 = tpu.memref_squeeze %dma_wait3A_290 : memref<1x88xi32, #tpu.memory_space<vmem>> -> memref<88xi32, #tpu.memory_space<vmem>>
    %dma_wait3A_292 = arith.constant 0 : i32
    %dma_wait3A_293 = arith.constant 0 : i32
    %dma_wait3A_294 = tpu.memref_slice %arg20[%dma_wait3A_292, %dma_wait3A_293] : memref<10016x8xf32, #tpu.memory_space<vmem_shared>> -> memref<10016x8xf32, #tpu.memory_space<vmem_shared>>
    tpu.wait_indirect_dma semaphore(%arg29 : memref<!tpu.dma_semaphore, #tpu.memory_space<semaphore_mem>>) src(%arg25 : memref<88x8xf32, #tpu.memory_space<vmem>>) dst(%dma_wait3A_294 : memref<10016x8xf32, #tpu.memory_space<vmem_shared>>)
    %barrier3A_295 = arith.constant 0 : index
    tpu.barrier barrier_id(%barrier3A_295)
    %dma_start3A_296 = arith.constant 0 : i32
    %dma_start3A_297 = tpu.memref_slice %arg15[%arg0, %multiple_of3A, %dma_start3A_296] : memref<2x10000x128xf32, #tpu.memory_space<hbm>> -> memref<1x624x128xf32, #tpu.memory_space<hbm>>
    %dma_start3A_298 = tpu.memref_squeeze %dma_start3A_297 : memref<1x624x128xf32, #tpu.memory_space<hbm>> -> memref<624x128xf32, #tpu.memory_space<hbm>>
    %dma_start3A_299 = arith.constant 0 : i32
    %dma_start3A_300 = tpu.memref_slice %arg19[%multiple_of3A, %dma_start3A_299] : memref<10016x128xf32, #tpu.memory_space<vmem_shared>> -> memref<624x128xf32, #tpu.memory_space<vmem_shared>>
    tpu.enqueue_dma source(%dma_start3A_300 : memref<624x128xf32, #tpu.memory_space<vmem_shared>>) target(%dma_start3A_298 : memref<624x128xf32, #tpu.memory_space<hbm>>) target_semaphore(%arg26 : memref<!tpu.dma_semaphore, #tpu.memory_space<semaphore_mem>>)
    %dma_start3A_301 = arith.constant 0 : i32
    %dma_start3A_302 = tpu.memref_slice %arg16[%arg0, %multiple_of3A, %dma_start3A_301] : memref<2x10000x8xf32, #tpu.memory_space<hbm>> -> memref<1x624x8xf32, #tpu.memory_space<hbm>>
    %dma_start3A_303 = tpu.memref_squeeze %dma_start3A_302 : memref<1x624x8xf32, #tpu.memory_space<hbm>> -> memref<624x8xf32, #tpu.memory_space<hbm>>
    %dma_start3A_304 = arith.constant 0 : i32
    %dma_start3A_305 = tpu.memref_slice %arg20[%multiple_of3A, %dma_start3A_304] : memref<10016x8xf32, #tpu.memory_space<vmem_shared>> -> memref<624x8xf32, #tpu.memory_space<vmem_shared>>
    tpu.enqueue_dma source(%dma_start3A_305 : memref<624x8xf32, #tpu.memory_space<vmem_shared>>) target(%dma_start3A_303 : memref<624x8xf32, #tpu.memory_space<hbm>>) target_semaphore(%arg27 : memref<!tpu.dma_semaphore, #tpu.memory_space<semaphore_mem>>)
    %eq3A_306 = arith.constant 0 : i32
    %eq3A_307 = arith.cmpi eq, %arg1, %eq3A_306 : i32
    %convert_element_type3A_308 = arith.extui %eq3A_307 : i1 to i32
    %cond3A_309 = arith.constant 0 : i32
    %cond3A_310 = arith.cmpi ne, %convert_element_type3A_308, %cond3A_309 : i32
    scf.if %cond3A_310 {
      %dma_start3A_485 = arith.constant 9984 : i32
      %dma_start3A_486 = arith.constant 0 : i32
      %dma_start3A_487 = tpu.memref_slice %arg15[%arg0, %dma_start3A_485, %dma_start3A_486] : memref<2x10000x128xf32, #tpu.memory_space<hbm>> -> memref<1x16x128xf32, #tpu.memory_space<hbm>>
      %dma_start3A_488 = tpu.memref_squeeze %dma_start3A_487 : memref<1x16x128xf32, #tpu.memory_space<hbm>> -> memref<16x128xf32, #tpu.memory_space<hbm>>
      %dma_start3A_489 = arith.constant 9984 : i32
      %dma_start3A_490 = arith.constant 0 : i32
      %dma_start3A_491 = tpu.memref_slice %arg19[%dma_start3A_489, %dma_start3A_490] : memref<10016x128xf32, #tpu.memory_space<vmem_shared>> -> memref<16x128xf32, #tpu.memory_space<vmem_shared>>
      tpu.enqueue_dma source(%dma_start3A_491 : memref<16x128xf32, #tpu.memory_space<vmem_shared>>) target(%dma_start3A_488 : memref<16x128xf32, #tpu.memory_space<hbm>>) target_semaphore(%arg28 : memref<!tpu.dma_semaphore, #tpu.memory_space<semaphore_mem>>)
      %dma_wait3A_492 = arith.constant 9984 : i32
      %dma_wait3A_493 = arith.constant 0 : i32
      %dma_wait3A_494 = tpu.memref_slice %arg15[%arg0, %dma_wait3A_492, %dma_wait3A_493] : memref<2x10000x128xf32, #tpu.memory_space<hbm>> -> memref<1x16x128xf32, #tpu.memory_space<hbm>>
      %dma_wait3A_495 = tpu.memref_squeeze %dma_wait3A_494 : memref<1x16x128xf32, #tpu.memory_space<hbm>> -> memref<16x128xf32, #tpu.memory_space<hbm>>
      %dma_wait3A_496 = arith.constant 9984 : i32
      %dma_wait3A_497 = arith.constant 0 : i32
      %dma_wait3A_498 = tpu.memref_slice %arg19[%dma_wait3A_496, %dma_wait3A_497] : memref<10016x128xf32, #tpu.memory_space<vmem_shared>> -> memref<16x128xf32, #tpu.memory_space<vmem_shared>>
      tpu.wait_dma2 semaphore(%arg28 : memref<!tpu.dma_semaphore, #tpu.memory_space<semaphore_mem>>) src(%dma_wait3A_498 : memref<16x128xf32, #tpu.memory_space<vmem_shared>>) dst(%dma_wait3A_495 : memref<16x128xf32, #tpu.memory_space<hbm>>)
      %dma_start3A_499 = arith.constant 9984 : i32
      %dma_start3A_500 = arith.constant 0 : i32
      %dma_start3A_501 = tpu.memref_slice %arg16[%arg0, %dma_start3A_499, %dma_start3A_500] : memref<2x10000x8xf32, #tpu.memory_space<hbm>> -> memref<1x16x8xf32, #tpu.memory_space<hbm>>
      %dma_start3A_502 = tpu.memref_squeeze %dma_start3A_501 : memref<1x16x8xf32, #tpu.memory_space<hbm>> -> memref<16x8xf32, #tpu.memory_space<hbm>>
      %dma_start3A_503 = arith.constant 9984 : i32
      %dma_start3A_504 = arith.constant 0 : i32
      %dma_start3A_505 = tpu.memref_slice %arg20[%dma_start3A_503, %dma_start3A_504] : memref<10016x8xf32, #tpu.memory_space<vmem_shared>> -> memref<16x8xf32, #tpu.memory_space<vmem_shared>>
      tpu.enqueue_dma source(%dma_start3A_505 : memref<16x8xf32, #tpu.memory_space<vmem_shared>>) target(%dma_start3A_502 : memref<16x8xf32, #tpu.memory_space<hbm>>) target_semaphore(%arg29 : memref<!tpu.dma_semaphore, #tpu.memory_space<semaphore_mem>>)
      %dma_wait3A_506 = arith.constant 9984 : i32
      %dma_wait3A_507 = arith.constant 0 : i32
      %dma_wait3A_508 = tpu.memref_slice %arg16[%arg0, %dma_wait3A_506, %dma_wait3A_507] : memref<2x10000x8xf32, #tpu.memory_space<hbm>> -> memref<1x16x8xf32, #tpu.memory_space<hbm>>
      %dma_wait3A_509 = tpu.memref_squeeze %dma_wait3A_508 : memref<1x16x8xf32, #tpu.memory_space<hbm>> -> memref<16x8xf32, #tpu.memory_space<hbm>>
      %dma_wait3A_510 = arith.constant 9984 : i32
      %dma_wait3A_511 = arith.constant 0 : i32
      %dma_wait3A_512 = tpu.memref_slice %arg20[%dma_wait3A_510, %dma_wait3A_511] : memref<10016x8xf32, #tpu.memory_space<vmem_shared>> -> memref<16x8xf32, #tpu.memory_space<vmem_shared>>
      tpu.wait_dma2 semaphore(%arg29 : memref<!tpu.dma_semaphore, #tpu.memory_space<semaphore_mem>>) src(%dma_wait3A_512 : memref<16x8xf32, #tpu.memory_space<vmem_shared>>) dst(%dma_wait3A_509 : memref<16x8xf32, #tpu.memory_space<hbm>>)
    } else {
    }
    %dma_wait3A_311 = arith.constant 0 : i32
    %dma_wait3A_312 = tpu.memref_slice %arg15[%arg0, %multiple_of3A, %dma_wait3A_311] : memref<2x10000x128xf32, #tpu.memory_space<hbm>> -> memref<1x624x128xf32, #tpu.memory_space<hbm>>
    %dma_wait3A_313 = tpu.memref_squeeze %dma_wait3A_312 : memref<1x624x128xf32, #tpu.memory_space<hbm>> -> memref<624x128xf32, #tpu.memory_space<hbm>>
    %dma_wait3A_314 = arith.constant 0 : i32
    %dma_wait3A_315 = tpu.memref_slice %arg19[%multiple_of3A, %dma_wait3A_314] : memref<10016x128xf32, #tpu.memory_space<vmem_shared>> -> memref<624x128xf32, #tpu.memory_space<vmem_shared>>
    tpu.wait_dma2 semaphore(%arg26 : memref<!tpu.dma_semaphore, #tpu.memory_space<semaphore_mem>>) src(%dma_wait3A_315 : memref<624x128xf32, #tpu.memory_space<vmem_shared>>) dst(%dma_wait3A_313 : memref<624x128xf32, #tpu.memory_space<hbm>>)
    %dma_wait3A_316 = arith.constant 0 : i32
    %dma_wait3A_317 = tpu.memref_slice %arg16[%arg0, %multiple_of3A, %dma_wait3A_316] : memref<2x10000x8xf32, #tpu.memory_space<hbm>> -> memref<1x624x8xf32, #tpu.memory_space<hbm>>
    %dma_wait3A_318 = tpu.memref_squeeze %dma_wait3A_317 : memref<1x624x8xf32, #tpu.memory_space<hbm>> -> memref<624x8xf32, #tpu.memory_space<hbm>>
    %dma_wait3A_319 = arith.constant 0 : i32
    %dma_wait3A_320 = tpu.memref_slice %arg20[%multiple_of3A, %dma_wait3A_319] : memref<10016x8xf32, #tpu.memory_space<vmem_shared>> -> memref<624x8xf32, #tpu.memory_space<vmem_shared>>
    tpu.wait_dma2 semaphore(%arg27 : memref<!tpu.dma_semaphore, #tpu.memory_space<semaphore_mem>>) src(%dma_wait3A_320 : memref<624x8xf32, #tpu.memory_space<vmem_shared>>) dst(%dma_wait3A_318 : memref<624x8xf32, #tpu.memory_space<hbm>>)
    %barrier3A_321 = arith.constant 0 : index
    tpu.barrier barrier_id(%barrier3A_321)
    %dma_start3A_322 = arith.constant 0 : i32
    %dma_start3A_323 = tpu.memref_slice %arg19[%multiple_of3A, %dma_start3A_322] : memref<10016x128xf32, #tpu.memory_space<vmem_shared>> -> memref<624x128xf32, #tpu.memory_space<vmem_shared>>
    tpu.enqueue_dma source(%arg4 : memref<624x128xf32, #tpu.memory_space<hbm>>) target(%dma_start3A_323 : memref<624x128xf32, #tpu.memory_space<vmem_shared>>) target_semaphore(%arg26 : memref<!tpu.dma_semaphore, #tpu.memory_space<semaphore_mem>>)
    %dma_start3A_324 = arith.constant 0 : i32
    %dma_start3A_325 = tpu.memref_slice %arg20[%multiple_of3A, %dma_start3A_324] : memref<10016x8xf32, #tpu.memory_space<vmem_shared>> -> memref<624x8xf32, #tpu.memory_space<vmem_shared>>
    tpu.enqueue_dma source(%arg5 : memref<624x8xf32, #tpu.memory_space<hbm>>) target(%dma_start3A_325 : memref<624x8xf32, #tpu.memory_space<vmem_shared>>) target_semaphore(%arg27 : memref<!tpu.dma_semaphore, #tpu.memory_space<semaphore_mem>>)
    %dma_start3A_326 = arith.constant 0 : i32
    %dma_start3A_327 = arith.constant 0 : i32
    %dma_start3A_328 = tpu.memref_slice %arg11[%add3A, %dma_start3A_326, %dma_start3A_327] : memref<32x114x88xi32, #tpu.memory_space<hbm>> -> memref<1x114x88xi32, #tpu.memory_space<hbm>>
    %dma_start3A_329 = tpu.memref_squeeze %dma_start3A_328 : memref<1x114x88xi32, #tpu.memory_space<hbm>> -> memref<114x88xi32, #tpu.memory_space<hbm>>
    %dma_start3A_330 = arith.constant 0 : i32
    %dma_start3A_331 = arith.constant 0 : i32
    %dma_start3A_332 = tpu.memref_slice %arg11[%add3A, %dma_start3A_330, %dma_start3A_331] : memref<32x114x88xi32, #tpu.memory_space<hbm>> -> memref<1x114x88xi32, #tpu.memory_space<hbm>>
    %dma_start3A_333 = tpu.memref_squeeze %dma_start3A_332 : memref<1x114x88xi32, #tpu.memory_space<hbm>> -> memref<114x88xi32, #tpu.memory_space<hbm>>
    tpu.enqueue_dma source(%dma_start3A_333 : memref<114x88xi32, #tpu.memory_space<hbm>>) target(%arg21 : memref<114x88xi32, #tpu.memory_space<vmem>>) target_semaphore(%arg28 : memref<!tpu.dma_semaphore, #tpu.memory_space<semaphore_mem>>)
    %dma_start3A_334 = arith.constant 0 : i32
    %dma_start3A_335 = arith.constant 0 : i32
    %dma_start3A_336 = tpu.memref_slice %arg12[%add3A, %dma_start3A_334, %dma_start3A_335] : memref<32x114x88xi32, #tpu.memory_space<hbm>> -> memref<1x114x88xi32, #tpu.memory_space<hbm>>
    %dma_start3A_337 = tpu.memref_squeeze %dma_start3A_336 : memref<1x114x88xi32, #tpu.memory_space<hbm>> -> memref<114x88xi32, #tpu.memory_space<hbm>>
    %dma_start3A_338 = arith.constant 0 : i32
    %dma_start3A_339 = arith.constant 0 : i32
    %dma_start3A_340 = tpu.memref_slice %arg12[%add3A, %dma_start3A_338, %dma_start3A_339] : memref<32x114x88xi32, #tpu.memory_space<hbm>> -> memref<1x114x88xi32, #tpu.memory_space<hbm>>
    %dma_start3A_341 = tpu.memref_squeeze %dma_start3A_340 : memref<1x114x88xi32, #tpu.memory_space<hbm>> -> memref<114x88xi32, #tpu.memory_space<hbm>>
    tpu.enqueue_dma source(%dma_start3A_341 : memref<114x88xi32, #tpu.memory_space<hbm>>) target(%arg22 : memref<114x88xi32, #tpu.memory_space<vmem>>) target_semaphore(%arg29 : memref<!tpu.dma_semaphore, #tpu.memory_space<semaphore_mem>>)
    %eq3A_342 = arith.constant 0 : i32
    %eq3A_343 = arith.cmpi eq, %arg1, %eq3A_342 : i32
    %convert_element_type3A_344 = arith.extui %eq3A_343 : i1 to i32
    %cond3A_345 = arith.constant 0 : i32
    %cond3A_346 = arith.cmpi ne, %convert_element_type3A_344, %cond3A_345 : i32
    scf.if %cond3A_346 {
      %dma_start3A_485 = arith.constant 9984 : i32
      %dma_start3A_486 = arith.constant 0 : i32
      %dma_start3A_487 = tpu.memref_slice %arg19[%dma_start3A_485, %dma_start3A_486] : memref<10016x128xf32, #tpu.memory_space<vmem_shared>> -> memref<16x128xf32, #tpu.memory_space<vmem_shared>>
      %dma_start3A_488 = arith.constant 0 : i32
      %dma_start3A_489 = arith.constant 0 : i32
      %dma_start3A_490 = tpu.memref_slice %arg4[%dma_start3A_488, %dma_start3A_489] : memref<624x128xf32, #tpu.memory_space<hbm>> -> memref<16x128xf32, #tpu.memory_space<hbm>>
      tpu.enqueue_dma source(%dma_start3A_490 : memref<16x128xf32, #tpu.memory_space<hbm>>) target(%dma_start3A_487 : memref<16x128xf32, #tpu.memory_space<vmem_shared>>) target_semaphore(%arg26 : memref<!tpu.dma_semaphore, #tpu.memory_space<semaphore_mem>>)
      %dma_wait3A_491 = arith.constant 9984 : i32
      %dma_wait3A_492 = arith.constant 0 : i32
      %dma_wait3A_493 = tpu.memref_slice %arg19[%dma_wait3A_491, %dma_wait3A_492] : memref<10016x128xf32, #tpu.memory_space<vmem_shared>> -> memref<16x128xf32, #tpu.memory_space<vmem_shared>>
      %dma_wait3A_494 = arith.constant 0 : i32
      %dma_wait3A_495 = arith.constant 0 : i32
      %dma_wait3A_496 = tpu.memref_slice %arg4[%dma_wait3A_494, %dma_wait3A_495] : memref<624x128xf32, #tpu.memory_space<hbm>> -> memref<16x128xf32, #tpu.memory_space<hbm>>
      tpu.wait_dma2 semaphore(%arg26 : memref<!tpu.dma_semaphore, #tpu.memory_space<semaphore_mem>>) src(%dma_wait3A_496 : memref<16x128xf32, #tpu.memory_space<hbm>>) dst(%dma_wait3A_493 : memref<16x128xf32, #tpu.memory_space<vmem_shared>>)
      %dma_start3A_497 = arith.constant 9984 : i32
      %dma_start3A_498 = arith.constant 0 : i32
      %dma_start3A_499 = tpu.memref_slice %arg20[%dma_start3A_497, %dma_start3A_498] : memref<10016x8xf32, #tpu.memory_space<vmem_shared>> -> memref<16x8xf32, #tpu.memory_space<vmem_shared>>
      %dma_start3A_500 = arith.constant 0 : i32
      %dma_start3A_501 = arith.constant 0 : i32
      %dma_start3A_502 = tpu.memref_slice %arg5[%dma_start3A_500, %dma_start3A_501] : memref<624x8xf32, #tpu.memory_space<hbm>> -> memref<16x8xf32, #tpu.memory_space<hbm>>
      tpu.enqueue_dma source(%dma_start3A_502 : memref<16x8xf32, #tpu.memory_space<hbm>>) target(%dma_start3A_499 : memref<16x8xf32, #tpu.memory_space<vmem_shared>>) target_semaphore(%arg27 : memref<!tpu.dma_semaphore, #tpu.memory_space<semaphore_mem>>)
      %dma_wait3A_503 = arith.constant 9984 : i32
      %dma_wait3A_504 = arith.constant 0 : i32
      %dma_wait3A_505 = tpu.memref_slice %arg20[%dma_wait3A_503, %dma_wait3A_504] : memref<10016x8xf32, #tpu.memory_space<vmem_shared>> -> memref<16x8xf32, #tpu.memory_space<vmem_shared>>
      %dma_wait3A_506 = arith.constant 0 : i32
      %dma_wait3A_507 = arith.constant 0 : i32
      %dma_wait3A_508 = tpu.memref_slice %arg5[%dma_wait3A_506, %dma_wait3A_507] : memref<624x8xf32, #tpu.memory_space<hbm>> -> memref<16x8xf32, #tpu.memory_space<hbm>>
      tpu.wait_dma2 semaphore(%arg27 : memref<!tpu.dma_semaphore, #tpu.memory_space<semaphore_mem>>) src(%dma_wait3A_508 : memref<16x8xf32, #tpu.memory_space<hbm>>) dst(%dma_wait3A_505 : memref<16x8xf32, #tpu.memory_space<vmem_shared>>)
    } else {
    }
    %dma_wait3A_347 = arith.constant 0 : i32
    %dma_wait3A_348 = tpu.memref_slice %arg19[%multiple_of3A, %dma_wait3A_347] : memref<10016x128xf32, #tpu.memory_space<vmem_shared>> -> memref<624x128xf32, #tpu.memory_space<vmem_shared>>
    tpu.wait_dma2 semaphore(%arg26 : memref<!tpu.dma_semaphore, #tpu.memory_space<semaphore_mem>>) src(%arg4 : memref<624x128xf32, #tpu.memory_space<hbm>>) dst(%dma_wait3A_348 : memref<624x128xf32, #tpu.memory_space<vmem_shared>>)
    %dma_wait3A_349 = arith.constant 0 : i32
    %dma_wait3A_350 = tpu.memref_slice %arg20[%multiple_of3A, %dma_wait3A_349] : memref<10016x8xf32, #tpu.memory_space<vmem_shared>> -> memref<624x8xf32, #tpu.memory_space<vmem_shared>>
    tpu.wait_dma2 semaphore(%arg27 : memref<!tpu.dma_semaphore, #tpu.memory_space<semaphore_mem>>) src(%arg5 : memref<624x8xf32, #tpu.memory_space<hbm>>) dst(%dma_wait3A_350 : memref<624x8xf32, #tpu.memory_space<vmem_shared>>)
    %dma_wait3A_351 = arith.constant 0 : i32
    %dma_wait3A_352 = arith.constant 0 : i32
    %dma_wait3A_353 = tpu.memref_slice %arg11[%add3A, %dma_wait3A_351, %dma_wait3A_352] : memref<32x114x88xi32, #tpu.memory_space<hbm>> -> memref<1x114x88xi32, #tpu.memory_space<hbm>>
    %dma_wait3A_354 = tpu.memref_squeeze %dma_wait3A_353 : memref<1x114x88xi32, #tpu.memory_space<hbm>> -> memref<114x88xi32, #tpu.memory_space<hbm>>
    %dma_wait3A_355 = arith.constant 0 : i32
    %dma_wait3A_356 = arith.constant 0 : i32
    %dma_wait3A_357 = tpu.memref_slice %arg11[%add3A, %dma_wait3A_355, %dma_wait3A_356] : memref<32x114x88xi32, #tpu.memory_space<hbm>> -> memref<1x114x88xi32, #tpu.memory_space<hbm>>
    %dma_wait3A_358 = tpu.memref_squeeze %dma_wait3A_357 : memref<1x114x88xi32, #tpu.memory_space<hbm>> -> memref<114x88xi32, #tpu.memory_space<hbm>>
    tpu.wait_dma2 semaphore(%arg28 : memref<!tpu.dma_semaphore, #tpu.memory_space<semaphore_mem>>) src(%dma_wait3A_358 : memref<114x88xi32, #tpu.memory_space<hbm>>) dst(%arg21 : memref<114x88xi32, #tpu.memory_space<vmem>>)
    %dma_wait3A_359 = arith.constant 0 : i32
    %dma_wait3A_360 = arith.constant 0 : i32
    %dma_wait3A_361 = tpu.memref_slice %arg12[%add3A, %dma_wait3A_359, %dma_wait3A_360] : memref<32x114x88xi32, #tpu.memory_space<hbm>> -> memref<1x114x88xi32, #tpu.memory_space<hbm>>
    %dma_wait3A_362 = tpu.memref_squeeze %dma_wait3A_361 : memref<1x114x88xi32, #tpu.memory_space<hbm>> -> memref<114x88xi32, #tpu.memory_space<hbm>>
    %dma_wait3A_363 = arith.constant 0 : i32
    %dma_wait3A_364 = arith.constant 0 : i32
    %dma_wait3A_365 = tpu.memref_slice %arg12[%add3A, %dma_wait3A_363, %dma_wait3A_364] : memref<32x114x88xi32, #tpu.memory_space<hbm>> -> memref<1x114x88xi32, #tpu.memory_space<hbm>>
    %dma_wait3A_366 = tpu.memref_squeeze %dma_wait3A_365 : memref<1x114x88xi32, #tpu.memory_space<hbm>> -> memref<114x88xi32, #tpu.memory_space<hbm>>
    tpu.wait_dma2 semaphore(%arg29 : memref<!tpu.dma_semaphore, #tpu.memory_space<semaphore_mem>>) src(%dma_wait3A_366 : memref<114x88xi32, #tpu.memory_space<hbm>>) dst(%arg22 : memref<114x88xi32, #tpu.memory_space<vmem>>)
    %barrier3A_367 = arith.constant 0 : index
    tpu.barrier barrier_id(%barrier3A_367)
    %dma_start3A_368 = arith.constant 0 : i32
    %dma_start3A_369 = arith.constant 0 : i32
    %dma_start3A_370 = tpu.memref_slice %arg21[%dma_start3A_368, %dma_start3A_369] : memref<114x88xi32, #tpu.memory_space<vmem>> -> memref<1x88xi32, #tpu.memory_space<vmem>>
    %dma_start3A_371 = tpu.memref_squeeze %dma_start3A_370 : memref<1x88xi32, #tpu.memory_space<vmem>> -> memref<88xi32, #tpu.memory_space<vmem>>
    %dma_start3A_372 = arith.constant 0 : i32
    %dma_start3A_373 = arith.constant 0 : i32
    %dma_start3A_374 = tpu.memref_slice %arg3[%dma_start3A_372, %dma_start3A_373] : memref<10000x128xf32, #tpu.memory_space<hbm>> -> memref<10000x128xf32, #tpu.memory_space<hbm>>
    tpu.enqueue_indirect_dma source(%dma_start3A_374 : memref<10000x128xf32, #tpu.memory_space<hbm>>) target(%arg23 : memref<88x128xf32, #tpu.memory_space<vmem>>) offsets(%dma_start3A_371 : memref<88xi32, #tpu.memory_space<vmem>>) semaphore(%arg26 : memref<!tpu.dma_semaphore, #tpu.memory_space<semaphore_mem>>)
    %dma_start3A_375 = arith.constant 1 : i32
    %dma_start3A_376 = arith.constant 0 : i32
    %dma_start3A_377 = tpu.memref_slice %arg21[%dma_start3A_375, %dma_start3A_376] : memref<114x88xi32, #tpu.memory_space<vmem>> -> memref<1x88xi32, #tpu.memory_space<vmem>>
    %dma_start3A_378 = tpu.memref_squeeze %dma_start3A_377 : memref<1x88xi32, #tpu.memory_space<vmem>> -> memref<88xi32, #tpu.memory_space<vmem>>
    %dma_start3A_379 = arith.constant 0 : i32
    %dma_start3A_380 = arith.constant 0 : i32
    %dma_start3A_381 = tpu.memref_slice %arg3[%dma_start3A_379, %dma_start3A_380] : memref<10000x128xf32, #tpu.memory_space<hbm>> -> memref<10000x128xf32, #tpu.memory_space<hbm>>
    tpu.enqueue_indirect_dma source(%dma_start3A_381 : memref<10000x128xf32, #tpu.memory_space<hbm>>) target(%arg24 : memref<88x128xf32, #tpu.memory_space<vmem>>) offsets(%dma_start3A_378 : memref<88xi32, #tpu.memory_space<vmem>>) semaphore(%arg27 : memref<!tpu.dma_semaphore, #tpu.memory_space<semaphore_mem>>)
    %scan3A_382 = arith.constant 0 : i32
    %scan3A_383 = arith.constant 0 : i32
    %scan3A_384 = arith.constant 56 : i32
    %scan3A_385 = arith.addi %scan3A_383, %scan3A_384 : i32
    %scan3A_386 = arith.constant 1 : i32
    scf.for %scan3A_485 = %scan3A_383 to %scan3A_385 step %scan3A_386  : i32 {
      %mul3A_486 = arith.constant 2 : i32
      %mul3A_487 = arith.muli %mul3A_486, %scan3A_485 : i32
      %dma_wait3A_488 = arith.constant 0 : i32
      %dma_wait3A_489 = arith.constant 0 : i32
      %dma_wait3A_490 = tpu.memref_slice %arg21[%dma_wait3A_488, %dma_wait3A_489] : memref<114x88xi32, #tpu.memory_space<vmem>> -> memref<1x88xi32, #tpu.memory_space<vmem>>
      %dma_wait3A_491 = tpu.memref_squeeze %dma_wait3A_490 : memref<1x88xi32, #tpu.memory_space<vmem>> -> memref<88xi32, #tpu.memory_space<vmem>>
      %dma_wait3A_492 = arith.constant 0 : i32
      %dma_wait3A_493 = arith.constant 0 : i32
      %dma_wait3A_494 = tpu.memref_slice %arg3[%dma_wait3A_492, %dma_wait3A_493] : memref<10000x128xf32, #tpu.memory_space<hbm>> -> memref<10000x128xf32, #tpu.memory_space<hbm>>
      tpu.wait_indirect_dma semaphore(%arg26 : memref<!tpu.dma_semaphore, #tpu.memory_space<semaphore_mem>>) src(%dma_wait3A_494 : memref<10000x128xf32, #tpu.memory_space<hbm>>) dst(%arg23 : memref<88x128xf32, #tpu.memory_space<vmem>>)
      %dma_start3A_495 = arith.constant 0 : i32
      %dma_start3A_496 = tpu.memref_slice %arg22[%mul3A_487, %dma_start3A_495] : memref<114x88xi32, #tpu.memory_space<vmem>> -> memref<1x88xi32, #tpu.memory_space<vmem>>
      %dma_start3A_497 = tpu.memref_squeeze %dma_start3A_496 : memref<1x88xi32, #tpu.memory_space<vmem>> -> memref<88xi32, #tpu.memory_space<vmem>>
      %dma_start3A_498 = arith.constant 0 : i32
      %dma_start3A_499 = arith.constant 0 : i32
      %dma_start3A_500 = tpu.memref_slice %arg19[%dma_start3A_498, %dma_start3A_499] : memref<10016x128xf32, #tpu.memory_space<vmem_shared>> -> memref<10016x128xf32, #tpu.memory_space<vmem_shared>>
      tpu.enqueue_indirect_dma source(%arg23 : memref<88x128xf32, #tpu.memory_space<vmem>>) target(%dma_start3A_500 : memref<10016x128xf32, #tpu.memory_space<vmem_shared>>) offsets(%dma_start3A_497 : memref<88xi32, #tpu.memory_space<vmem>>) semaphore(%arg28 : memref<!tpu.dma_semaphore, #tpu.memory_space<semaphore_mem>>) {add = true}
      %dma_start3A_501 = arith.constant 0 : i32
      %dma_start3A_502 = tpu.memref_slice %arg22[%mul3A_487, %dma_start3A_501] : memref<114x88xi32, #tpu.memory_space<vmem>> -> memref<1x88xi32, #tpu.memory_space<vmem>>
      %dma_start3A_503 = tpu.memref_squeeze %dma_start3A_502 : memref<1x88xi32, #tpu.memory_space<vmem>> -> memref<88xi32, #tpu.memory_space<vmem>>
      %dma_start3A_504 = arith.constant 0 : i32
      %dma_start3A_505 = arith.constant 0 : i32
      %dma_start3A_506 = tpu.memref_slice %arg20[%dma_start3A_504, %dma_start3A_505] : memref<10016x8xf32, #tpu.memory_space<vmem_shared>> -> memref<10016x8xf32, #tpu.memory_space<vmem_shared>>
      tpu.enqueue_indirect_dma source(%arg25 : memref<88x8xf32, #tpu.memory_space<vmem>>) target(%dma_start3A_506 : memref<10016x8xf32, #tpu.memory_space<vmem_shared>>) offsets(%dma_start3A_503 : memref<88xi32, #tpu.memory_space<vmem>>) semaphore(%arg28 : memref<!tpu.dma_semaphore, #tpu.memory_space<semaphore_mem>>) {add = true}
      %dma_wait3A_507 = arith.constant 0 : i32
      %dma_wait3A_508 = arith.constant 0 : i32
      %dma_wait3A_509 = tpu.memref_slice %arg21[%dma_wait3A_507, %dma_wait3A_508] : memref<114x88xi32, #tpu.memory_space<vmem>> -> memref<1x88xi32, #tpu.memory_space<vmem>>
      %dma_wait3A_510 = tpu.memref_squeeze %dma_wait3A_509 : memref<1x88xi32, #tpu.memory_space<vmem>> -> memref<88xi32, #tpu.memory_space<vmem>>
      %dma_wait3A_511 = arith.constant 0 : i32
      %dma_wait3A_512 = arith.constant 0 : i32
      %dma_wait3A_513 = tpu.memref_slice %arg3[%dma_wait3A_511, %dma_wait3A_512] : memref<10000x128xf32, #tpu.memory_space<hbm>> -> memref<10000x128xf32, #tpu.memory_space<hbm>>
      tpu.wait_indirect_dma semaphore(%arg27 : memref<!tpu.dma_semaphore, #tpu.memory_space<semaphore_mem>>) src(%dma_wait3A_513 : memref<10000x128xf32, #tpu.memory_space<hbm>>) dst(%arg24 : memref<88x128xf32, #tpu.memory_space<vmem>>)
      %add3A_514 = arith.constant 1 : i32
      %add3A_515 = arith.addi %mul3A_487, %add3A_514 : i32
      %dma_start3A_516 = arith.constant 0 : i32
      %dma_start3A_517 = tpu.memref_slice %arg22[%add3A_515, %dma_start3A_516] : memref<114x88xi32, #tpu.memory_space<vmem>> -> memref<1x88xi32, #tpu.memory_space<vmem>>
      %dma_start3A_518 = tpu.memref_squeeze %dma_start3A_517 : memref<1x88xi32, #tpu.memory_space<vmem>> -> memref<88xi32, #tpu.memory_space<vmem>>
      %dma_start3A_519 = arith.constant 0 : i32
      %dma_start3A_520 = arith.constant 0 : i32
      %dma_start3A_521 = tpu.memref_slice %arg19[%dma_start3A_519, %dma_start3A_520] : memref<10016x128xf32, #tpu.memory_space<vmem_shared>> -> memref<10016x128xf32, #tpu.memory_space<vmem_shared>>
      tpu.enqueue_indirect_dma source(%arg24 : memref<88x128xf32, #tpu.memory_space<vmem>>) target(%dma_start3A_521 : memref<10016x128xf32, #tpu.memory_space<vmem_shared>>) offsets(%dma_start3A_518 : memref<88xi32, #tpu.memory_space<vmem>>) semaphore(%arg29 : memref<!tpu.dma_semaphore, #tpu.memory_space<semaphore_mem>>) {add = true}
      %dma_start3A_522 = arith.constant 0 : i32
      %dma_start3A_523 = tpu.memref_slice %arg22[%add3A_515, %dma_start3A_522] : memref<114x88xi32, #tpu.memory_space<vmem>> -> memref<1x88xi32, #tpu.memory_space<vmem>>
      %dma_start3A_524 = tpu.memref_squeeze %dma_start3A_523 : memref<1x88xi32, #tpu.memory_space<vmem>> -> memref<88xi32, #tpu.memory_space<vmem>>
      %dma_start3A_525 = arith.constant 0 : i32
      %dma_start3A_526 = arith.constant 0 : i32
      %dma_start3A_527 = tpu.memref_slice %arg20[%dma_start3A_525, %dma_start3A_526] : memref<10016x8xf32, #tpu.memory_space<vmem_shared>> -> memref<10016x8xf32, #tpu.memory_space<vmem_shared>>
      tpu.enqueue_indirect_dma source(%arg25 : memref<88x8xf32, #tpu.memory_space<vmem>>) target(%dma_start3A_527 : memref<10016x8xf32, #tpu.memory_space<vmem_shared>>) offsets(%dma_start3A_524 : memref<88xi32, #tpu.memory_space<vmem>>) semaphore(%arg29 : memref<!tpu.dma_semaphore, #tpu.memory_space<semaphore_mem>>) {add = true}
      %dma_wait3A_528 = arith.constant 0 : i32
      %dma_wait3A_529 = arith.constant 0 : i32
      %dma_wait3A_530 = tpu.memref_slice %arg22[%dma_wait3A_528, %dma_wait3A_529] : memref<114x88xi32, #tpu.memory_space<vmem>> -> memref<1x88xi32, #tpu.memory_space<vmem>>
      %dma_wait3A_531 = tpu.memref_squeeze %dma_wait3A_530 : memref<1x88xi32, #tpu.memory_space<vmem>> -> memref<88xi32, #tpu.memory_space<vmem>>
      %dma_wait3A_532 = arith.constant 0 : i32
      %dma_wait3A_533 = arith.constant 0 : i32
      %dma_wait3A_534 = tpu.memref_slice %arg19[%dma_wait3A_532, %dma_wait3A_533] : memref<10016x128xf32, #tpu.memory_space<vmem_shared>> -> memref<10016x128xf32, #tpu.memory_space<vmem_shared>>
      tpu.wait_indirect_dma semaphore(%arg28 : memref<!tpu.dma_semaphore, #tpu.memory_space<semaphore_mem>>) src(%arg23 : memref<88x128xf32, #tpu.memory_space<vmem>>) dst(%dma_wait3A_534 : memref<10016x128xf32, #tpu.memory_space<vmem_shared>>)
      %dma_wait3A_535 = arith.constant 0 : i32
      %dma_wait3A_536 = arith.constant 0 : i32
      %dma_wait3A_537 = tpu.memref_slice %arg22[%dma_wait3A_535, %dma_wait3A_536] : memref<114x88xi32, #tpu.memory_space<vmem>> -> memref<1x88xi32, #tpu.memory_space<vmem>>
      %dma_wait3A_538 = tpu.memref_squeeze %dma_wait3A_537 : memref<1x88xi32, #tpu.memory_space<vmem>> -> memref<88xi32, #tpu.memory_space<vmem>>
      %dma_wait3A_539 = arith.constant 0 : i32
      %dma_wait3A_540 = arith.constant 0 : i32
      %dma_wait3A_541 = tpu.memref_slice %arg20[%dma_wait3A_539, %dma_wait3A_540] : memref<10016x8xf32, #tpu.memory_space<vmem_shared>> -> memref<10016x8xf32, #tpu.memory_space<vmem_shared>>
      tpu.wait_indirect_dma semaphore(%arg28 : memref<!tpu.dma_semaphore, #tpu.memory_space<semaphore_mem>>) src(%arg25 : memref<88x8xf32, #tpu.memory_space<vmem>>) dst(%dma_wait3A_541 : memref<10016x8xf32, #tpu.memory_space<vmem_shared>>)
      %add3A_542 = arith.constant 2 : i32
      %add3A_543 = arith.addi %mul3A_487, %add3A_542 : i32
      %dma_start3A_544 = arith.constant 0 : i32
      %dma_start3A_545 = tpu.memref_slice %arg21[%add3A_543, %dma_start3A_544] : memref<114x88xi32, #tpu.memory_space<vmem>> -> memref<1x88xi32, #tpu.memory_space<vmem>>
      %dma_start3A_546 = tpu.memref_squeeze %dma_start3A_545 : memref<1x88xi32, #tpu.memory_space<vmem>> -> memref<88xi32, #tpu.memory_space<vmem>>
      %dma_start3A_547 = arith.constant 0 : i32
      %dma_start3A_548 = arith.constant 0 : i32
      %dma_start3A_549 = tpu.memref_slice %arg3[%dma_start3A_547, %dma_start3A_548] : memref<10000x128xf32, #tpu.memory_space<hbm>> -> memref<10000x128xf32, #tpu.memory_space<hbm>>
      tpu.enqueue_indirect_dma source(%dma_start3A_549 : memref<10000x128xf32, #tpu.memory_space<hbm>>) target(%arg23 : memref<88x128xf32, #tpu.memory_space<vmem>>) offsets(%dma_start3A_546 : memref<88xi32, #tpu.memory_space<vmem>>) semaphore(%arg26 : memref<!tpu.dma_semaphore, #tpu.memory_space<semaphore_mem>>)
      %dma_wait3A_550 = arith.constant 0 : i32
      %dma_wait3A_551 = arith.constant 0 : i32
      %dma_wait3A_552 = tpu.memref_slice %arg22[%dma_wait3A_550, %dma_wait3A_551] : memref<114x88xi32, #tpu.memory_space<vmem>> -> memref<1x88xi32, #tpu.memory_space<vmem>>
      %dma_wait3A_553 = tpu.memref_squeeze %dma_wait3A_552 : memref<1x88xi32, #tpu.memory_space<vmem>> -> memref<88xi32, #tpu.memory_space<vmem>>
      %dma_wait3A_554 = arith.constant 0 : i32
      %dma_wait3A_555 = arith.constant 0 : i32
      %dma_wait3A_556 = tpu.memref_slice %arg19[%dma_wait3A_554, %dma_wait3A_555] : memref<10016x128xf32, #tpu.memory_space<vmem_shared>> -> memref<10016x128xf32, #tpu.memory_space<vmem_shared>>
      tpu.wait_indirect_dma semaphore(%arg29 : memref<!tpu.dma_semaphore, #tpu.memory_space<semaphore_mem>>) src(%arg24 : memref<88x128xf32, #tpu.memory_space<vmem>>) dst(%dma_wait3A_556 : memref<10016x128xf32, #tpu.memory_space<vmem_shared>>)
      %dma_wait3A_557 = arith.constant 0 : i32
      %dma_wait3A_558 = arith.constant 0 : i32
      %dma_wait3A_559 = tpu.memref_slice %arg22[%dma_wait3A_557, %dma_wait3A_558] : memref<114x88xi32, #tpu.memory_space<vmem>> -> memref<1x88xi32, #tpu.memory_space<vmem>>
      %dma_wait3A_560 = tpu.memref_squeeze %dma_wait3A_559 : memref<1x88xi32, #tpu.memory_space<vmem>> -> memref<88xi32, #tpu.memory_space<vmem>>
      %dma_wait3A_561 = arith.constant 0 : i32
      %dma_wait3A_562 = arith.constant 0 : i32
      %dma_wait3A_563 = tpu.memref_slice %arg20[%dma_wait3A_561, %dma_wait3A_562] : memref<10016x8xf32, #tpu.memory_space<vmem_shared>> -> memref<10016x8xf32, #tpu.memory_space<vmem_shared>>
      tpu.wait_indirect_dma semaphore(%arg29 : memref<!tpu.dma_semaphore, #tpu.memory_space<semaphore_mem>>) src(%arg25 : memref<88x8xf32, #tpu.memory_space<vmem>>) dst(%dma_wait3A_563 : memref<10016x8xf32, #tpu.memory_space<vmem_shared>>)
      %add3A_564 = arith.constant 3 : i32
      %add3A_565 = arith.addi %mul3A_487, %add3A_564 : i32
      %dma_start3A_566 = arith.constant 0 : i32
      %dma_start3A_567 = tpu.memref_slice %arg21[%add3A_565, %dma_start3A_566] : memref<114x88xi32, #tpu.memory_space<vmem>> -> memref<1x88xi32, #tpu.memory_space<vmem>>
      %dma_start3A_568 = tpu.memref_squeeze %dma_start3A_567 : memref<1x88xi32, #tpu.memory_space<vmem>> -> memref<88xi32, #tpu.memory_space<vmem>>
      %dma_start3A_569 = arith.constant 0 : i32
      %dma_start3A_570 = arith.constant 0 : i32
      %dma_start3A_571 = tpu.memref_slice %arg3[%dma_start3A_569, %dma_start3A_570] : memref<10000x128xf32, #tpu.memory_space<hbm>> -> memref<10000x128xf32, #tpu.memory_space<hbm>>
      tpu.enqueue_indirect_dma source(%dma_start3A_571 : memref<10000x128xf32, #tpu.memory_space<hbm>>) target(%arg24 : memref<88x128xf32, #tpu.memory_space<vmem>>) offsets(%dma_start3A_568 : memref<88xi32, #tpu.memory_space<vmem>>) semaphore(%arg27 : memref<!tpu.dma_semaphore, #tpu.memory_space<semaphore_mem>>)
    }
    %scan3A_387 = arith.constant 56 : i32
    %dma_wait3A_388 = arith.constant 0 : i32
    %dma_wait3A_389 = arith.constant 0 : i32
    %dma_wait3A_390 = tpu.memref_slice %arg21[%dma_wait3A_388, %dma_wait3A_389] : memref<114x88xi32, #tpu.memory_space<vmem>> -> memref<1x88xi32, #tpu.memory_space<vmem>>
    %dma_wait3A_391 = tpu.memref_squeeze %dma_wait3A_390 : memref<1x88xi32, #tpu.memory_space<vmem>> -> memref<88xi32, #tpu.memory_space<vmem>>
    %dma_wait3A_392 = arith.constant 0 : i32
    %dma_wait3A_393 = arith.constant 0 : i32
    %dma_wait3A_394 = tpu.memref_slice %arg3[%dma_wait3A_392, %dma_wait3A_393] : memref<10000x128xf32, #tpu.memory_space<hbm>> -> memref<10000x128xf32, #tpu.memory_space<hbm>>
    tpu.wait_indirect_dma semaphore(%arg26 : memref<!tpu.dma_semaphore, #tpu.memory_space<semaphore_mem>>) src(%dma_wait3A_394 : memref<10000x128xf32, #tpu.memory_space<hbm>>) dst(%arg23 : memref<88x128xf32, #tpu.memory_space<vmem>>)
    %dma_start3A_395 = arith.constant 112 : i32
    %dma_start3A_396 = arith.constant 0 : i32
    %dma_start3A_397 = tpu.memref_slice %arg22[%dma_start3A_395, %dma_start3A_396] : memref<114x88xi32, #tpu.memory_space<vmem>> -> memref<1x88xi32, #tpu.memory_space<vmem>>
    %dma_start3A_398 = tpu.memref_squeeze %dma_start3A_397 : memref<1x88xi32, #tpu.memory_space<vmem>> -> memref<88xi32, #tpu.memory_space<vmem>>
    %dma_start3A_399 = arith.constant 0 : i32
    %dma_start3A_400 = arith.constant 0 : i32
    %dma_start3A_401 = tpu.memref_slice %arg19[%dma_start3A_399, %dma_start3A_400] : memref<10016x128xf32, #tpu.memory_space<vmem_shared>> -> memref<10016x128xf32, #tpu.memory_space<vmem_shared>>
    tpu.enqueue_indirect_dma source(%arg23 : memref<88x128xf32, #tpu.memory_space<vmem>>) target(%dma_start3A_401 : memref<10016x128xf32, #tpu.memory_space<vmem_shared>>) offsets(%dma_start3A_398 : memref<88xi32, #tpu.memory_space<vmem>>) semaphore(%arg28 : memref<!tpu.dma_semaphore, #tpu.memory_space<semaphore_mem>>) {add = true}
    %dma_start3A_402 = arith.constant 112 : i32
    %dma_start3A_403 = arith.constant 0 : i32
    %dma_start3A_404 = tpu.memref_slice %arg22[%dma_start3A_402, %dma_start3A_403] : memref<114x88xi32, #tpu.memory_space<vmem>> -> memref<1x88xi32, #tpu.memory_space<vmem>>
    %dma_start3A_405 = tpu.memref_squeeze %dma_start3A_404 : memref<1x88xi32, #tpu.memory_space<vmem>> -> memref<88xi32, #tpu.memory_space<vmem>>
    %dma_start3A_406 = arith.constant 0 : i32
    %dma_start3A_407 = arith.constant 0 : i32
    %dma_start3A_408 = tpu.memref_slice %arg20[%dma_start3A_406, %dma_start3A_407] : memref<10016x8xf32, #tpu.memory_space<vmem_shared>> -> memref<10016x8xf32, #tpu.memory_space<vmem_shared>>
    tpu.enqueue_indirect_dma source(%arg25 : memref<88x8xf32, #tpu.memory_space<vmem>>) target(%dma_start3A_408 : memref<10016x8xf32, #tpu.memory_space<vmem_shared>>) offsets(%dma_start3A_405 : memref<88xi32, #tpu.memory_space<vmem>>) semaphore(%arg28 : memref<!tpu.dma_semaphore, #tpu.memory_space<semaphore_mem>>) {add = true}
    %dma_wait3A_409 = arith.constant 0 : i32
    %dma_wait3A_410 = arith.constant 0 : i32
    %dma_wait3A_411 = tpu.memref_slice %arg21[%dma_wait3A_409, %dma_wait3A_410] : memref<114x88xi32, #tpu.memory_space<vmem>> -> memref<1x88xi32, #tpu.memory_space<vmem>>
    %dma_wait3A_412 = tpu.memref_squeeze %dma_wait3A_411 : memref<1x88xi32, #tpu.memory_space<vmem>> -> memref<88xi32, #tpu.memory_space<vmem>>
    %dma_wait3A_413 = arith.constant 0 : i32
    %dma_wait3A_414 = arith.constant 0 : i32
    %dma_wait3A_415 = tpu.memref_slice %arg3[%dma_wait3A_413, %dma_wait3A_414] : memref<10000x128xf32, #tpu.memory_space<hbm>> -> memref<10000x128xf32, #tpu.memory_space<hbm>>
    tpu.wait_indirect_dma semaphore(%arg27 : memref<!tpu.dma_semaphore, #tpu.memory_space<semaphore_mem>>) src(%dma_wait3A_415 : memref<10000x128xf32, #tpu.memory_space<hbm>>) dst(%arg24 : memref<88x128xf32, #tpu.memory_space<vmem>>)
    %dma_start3A_416 = arith.constant 113 : i32
    %dma_start3A_417 = arith.constant 0 : i32
    %dma_start3A_418 = tpu.memref_slice %arg22[%dma_start3A_416, %dma_start3A_417] : memref<114x88xi32, #tpu.memory_space<vmem>> -> memref<1x88xi32, #tpu.memory_space<vmem>>
    %dma_start3A_419 = tpu.memref_squeeze %dma_start3A_418 : memref<1x88xi32, #tpu.memory_space<vmem>> -> memref<88xi32, #tpu.memory_space<vmem>>
    %dma_start3A_420 = arith.constant 0 : i32
    %dma_start3A_421 = arith.constant 0 : i32
    %dma_start3A_422 = tpu.memref_slice %arg19[%dma_start3A_420, %dma_start3A_421] : memref<10016x128xf32, #tpu.memory_space<vmem_shared>> -> memref<10016x128xf32, #tpu.memory_space<vmem_shared>>
    tpu.enqueue_indirect_dma source(%arg24 : memref<88x128xf32, #tpu.memory_space<vmem>>) target(%dma_start3A_422 : memref<10016x128xf32, #tpu.memory_space<vmem_shared>>) offsets(%dma_start3A_419 : memref<88xi32, #tpu.memory_space<vmem>>) semaphore(%arg29 : memref<!tpu.dma_semaphore, #tpu.memory_space<semaphore_mem>>) {add = true}
    %dma_start3A_423 = arith.constant 113 : i32
    %dma_start3A_424 = arith.constant 0 : i32
    %dma_start3A_425 = tpu.memref_slice %arg22[%dma_start3A_423, %dma_start3A_424] : memref<114x88xi32, #tpu.memory_space<vmem>> -> memref<1x88xi32, #tpu.memory_space<vmem>>
    %dma_start3A_426 = tpu.memref_squeeze %dma_start3A_425 : memref<1x88xi32, #tpu.memory_space<vmem>> -> memref<88xi32, #tpu.memory_space<vmem>>
    %dma_start3A_427 = arith.constant 0 : i32
    %dma_start3A_428 = arith.constant 0 : i32
    %dma_start3A_429 = tpu.memref_slice %arg20[%dma_start3A_427, %dma_start3A_428] : memref<10016x8xf32, #tpu.memory_space<vmem_shared>> -> memref<10016x8xf32, #tpu.memory_space<vmem_shared>>
    tpu.enqueue_indirect_dma source(%arg25 : memref<88x8xf32, #tpu.memory_space<vmem>>) target(%dma_start3A_429 : memref<10016x8xf32, #tpu.memory_space<vmem_shared>>) offsets(%dma_start3A_426 : memref<88xi32, #tpu.memory_space<vmem>>) semaphore(%arg29 : memref<!tpu.dma_semaphore, #tpu.memory_space<semaphore_mem>>) {add = true}
    %dma_wait3A_430 = arith.constant 0 : i32
    %dma_wait3A_431 = arith.constant 0 : i32
    %dma_wait3A_432 = tpu.memref_slice %arg22[%dma_wait3A_430, %dma_wait3A_431] : memref<114x88xi32, #tpu.memory_space<vmem>> -> memref<1x88xi32, #tpu.memory_space<vmem>>
    %dma_wait3A_433 = tpu.memref_squeeze %dma_wait3A_432 : memref<1x88xi32, #tpu.memory_space<vmem>> -> memref<88xi32, #tpu.memory_space<vmem>>
    %dma_wait3A_434 = arith.constant 0 : i32
    %dma_wait3A_435 = arith.constant 0 : i32
    %dma_wait3A_436 = tpu.memref_slice %arg19[%dma_wait3A_434, %dma_wait3A_435] : memref<10016x128xf32, #tpu.memory_space<vmem_shared>> -> memref<10016x128xf32, #tpu.memory_space<vmem_shared>>
    tpu.wait_indirect_dma semaphore(%arg28 : memref<!tpu.dma_semaphore, #tpu.memory_space<semaphore_mem>>) src(%arg23 : memref<88x128xf32, #tpu.memory_space<vmem>>) dst(%dma_wait3A_436 : memref<10016x128xf32, #tpu.memory_space<vmem_shared>>)
    %dma_wait3A_437 = arith.constant 0 : i32
    %dma_wait3A_438 = arith.constant 0 : i32
    %dma_wait3A_439 = tpu.memref_slice %arg22[%dma_wait3A_437, %dma_wait3A_438] : memref<114x88xi32, #tpu.memory_space<vmem>> -> memref<1x88xi32, #tpu.memory_space<vmem>>
    %dma_wait3A_440 = tpu.memref_squeeze %dma_wait3A_439 : memref<1x88xi32, #tpu.memory_space<vmem>> -> memref<88xi32, #tpu.memory_space<vmem>>
    %dma_wait3A_441 = arith.constant 0 : i32
    %dma_wait3A_442 = arith.constant 0 : i32
    %dma_wait3A_443 = tpu.memref_slice %arg20[%dma_wait3A_441, %dma_wait3A_442] : memref<10016x8xf32, #tpu.memory_space<vmem_shared>> -> memref<10016x8xf32, #tpu.memory_space<vmem_shared>>
    tpu.wait_indirect_dma semaphore(%arg28 : memref<!tpu.dma_semaphore, #tpu.memory_space<semaphore_mem>>) src(%arg25 : memref<88x8xf32, #tpu.memory_space<vmem>>) dst(%dma_wait3A_443 : memref<10016x8xf32, #tpu.memory_space<vmem_shared>>)
    %dma_wait3A_444 = arith.constant 0 : i32
    %dma_wait3A_445 = arith.constant 0 : i32
    %dma_wait3A_446 = tpu.memref_slice %arg22[%dma_wait3A_444, %dma_wait3A_445] : memref<114x88xi32, #tpu.memory_space<vmem>> -> memref<1x88xi32, #tpu.memory_space<vmem>>
    %dma_wait3A_447 = tpu.memref_squeeze %dma_wait3A_446 : memref<1x88xi32, #tpu.memory_space<vmem>> -> memref<88xi32, #tpu.memory_space<vmem>>
    %dma_wait3A_448 = arith.constant 0 : i32
    %dma_wait3A_449 = arith.constant 0 : i32
    %dma_wait3A_450 = tpu.memref_slice %arg19[%dma_wait3A_448, %dma_wait3A_449] : memref<10016x128xf32, #tpu.memory_space<vmem_shared>> -> memref<10016x128xf32, #tpu.memory_space<vmem_shared>>
    tpu.wait_indirect_dma semaphore(%arg29 : memref<!tpu.dma_semaphore, #tpu.memory_space<semaphore_mem>>) src(%arg24 : memref<88x128xf32, #tpu.memory_space<vmem>>) dst(%dma_wait3A_450 : memref<10016x128xf32, #tpu.memory_space<vmem_shared>>)
    %dma_wait3A_451 = arith.constant 0 : i32
    %dma_wait3A_452 = arith.constant 0 : i32
    %dma_wait3A_453 = tpu.memref_slice %arg22[%dma_wait3A_451, %dma_wait3A_452] : memref<114x88xi32, #tpu.memory_space<vmem>> -> memref<1x88xi32, #tpu.memory_space<vmem>>
    %dma_wait3A_454 = tpu.memref_squeeze %dma_wait3A_453 : memref<1x88xi32, #tpu.memory_space<vmem>> -> memref<88xi32, #tpu.memory_space<vmem>>
    %dma_wait3A_455 = arith.constant 0 : i32
    %dma_wait3A_456 = arith.constant 0 : i32
    %dma_wait3A_457 = tpu.memref_slice %arg20[%dma_wait3A_455, %dma_wait3A_456] : memref<10016x8xf32, #tpu.memory_space<vmem_shared>> -> memref<10016x8xf32, #tpu.memory_space<vmem_shared>>
    tpu.wait_indirect_dma semaphore(%arg29 : memref<!tpu.dma_semaphore, #tpu.memory_space<semaphore_mem>>) src(%arg25 : memref<88x8xf32, #tpu.memory_space<vmem>>) dst(%dma_wait3A_457 : memref<10016x8xf32, #tpu.memory_space<vmem_shared>>)
    %barrier3A_458 = arith.constant 0 : index
    tpu.barrier barrier_id(%barrier3A_458)
    %dma_start3A_459 = arith.constant 0 : i32
    %dma_start3A_460 = tpu.memref_slice %arg17[%arg0, %multiple_of3A, %dma_start3A_459] : memref<2x10000x128xf32, #tpu.memory_space<hbm>> -> memref<1x624x128xf32, #tpu.memory_space<hbm>>
    %dma_start3A_461 = tpu.memref_squeeze %dma_start3A_460 : memref<1x624x128xf32, #tpu.memory_space<hbm>> -> memref<624x128xf32, #tpu.memory_space<hbm>>
    %dma_start3A_462 = arith.constant 0 : i32
    %dma_start3A_463 = tpu.memref_slice %arg19[%multiple_of3A, %dma_start3A_462] : memref<10016x128xf32, #tpu.memory_space<vmem_shared>> -> memref<624x128xf32, #tpu.memory_space<vmem_shared>>
    tpu.enqueue_dma source(%dma_start3A_463 : memref<624x128xf32, #tpu.memory_space<vmem_shared>>) target(%dma_start3A_461 : memref<624x128xf32, #tpu.memory_space<hbm>>) target_semaphore(%arg26 : memref<!tpu.dma_semaphore, #tpu.memory_space<semaphore_mem>>)
    %dma_start3A_464 = arith.constant 0 : i32
    %dma_start3A_465 = tpu.memref_slice %arg18[%arg0, %multiple_of3A, %dma_start3A_464] : memref<2x10000x8xf32, #tpu.memory_space<hbm>> -> memref<1x624x8xf32, #tpu.memory_space<hbm>>
    %dma_start3A_466 = tpu.memref_squeeze %dma_start3A_465 : memref<1x624x8xf32, #tpu.memory_space<hbm>> -> memref<624x8xf32, #tpu.memory_space<hbm>>
    %dma_start3A_467 = arith.constant 0 : i32
    %dma_start3A_468 = tpu.memref_slice %arg20[%multiple_of3A, %dma_start3A_467] : memref<10016x8xf32, #tpu.memory_space<vmem_shared>> -> memref<624x8xf32, #tpu.memory_space<vmem_shared>>
    tpu.enqueue_dma source(%dma_start3A_468 : memref<624x8xf32, #tpu.memory_space<vmem_shared>>) target(%dma_start3A_466 : memref<624x8xf32, #tpu.memory_space<hbm>>) target_semaphore(%arg27 : memref<!tpu.dma_semaphore, #tpu.memory_space<semaphore_mem>>)
    %eq3A_469 = arith.constant 0 : i32
    %eq3A_470 = arith.cmpi eq, %arg1, %eq3A_469 : i32
    %convert_element_type3A_471 = arith.extui %eq3A_470 : i1 to i32
    %cond3A_472 = arith.constant 0 : i32
    %cond3A_473 = arith.cmpi ne, %convert_element_type3A_471, %cond3A_472 : i32
    scf.if %cond3A_473 {
      %dma_start3A_485 = arith.constant 9984 : i32
      %dma_start3A_486 = arith.constant 0 : i32
      %dma_start3A_487 = tpu.memref_slice %arg17[%arg0, %dma_start3A_485, %dma_start3A_486] : memref<2x10000x128xf32, #tpu.memory_space<hbm>> -> memref<1x16x128xf32, #tpu.memory_space<hbm>>
      %dma_start3A_488 = tpu.memref_squeeze %dma_start3A_487 : memref<1x16x128xf32, #tpu.memory_space<hbm>> -> memref<16x128xf32, #tpu.memory_space<hbm>>
      %dma_start3A_489 = arith.constant 9984 : i32
      %dma_start3A_490 = arith.constant 0 : i32
      %dma_start3A_491 = tpu.memref_slice %arg19[%dma_start3A_489, %dma_start3A_490] : memref<10016x128xf32, #tpu.memory_space<vmem_shared>> -> memref<16x128xf32, #tpu.memory_space<vmem_shared>>
      tpu.enqueue_dma source(%dma_start3A_491 : memref<16x128xf32, #tpu.memory_space<vmem_shared>>) target(%dma_start3A_488 : memref<16x128xf32, #tpu.memory_space<hbm>>) target_semaphore(%arg28 : memref<!tpu.dma_semaphore, #tpu.memory_space<semaphore_mem>>)
      %dma_wait3A_492 = arith.constant 9984 : i32
      %dma_wait3A_493 = arith.constant 0 : i32
      %dma_wait3A_494 = tpu.memref_slice %arg17[%arg0, %dma_wait3A_492, %dma_wait3A_493] : memref<2x10000x128xf32, #tpu.memory_space<hbm>> -> memref<1x16x128xf32, #tpu.memory_space<hbm>>
      %dma_wait3A_495 = tpu.memref_squeeze %dma_wait3A_494 : memref<1x16x128xf32, #tpu.memory_space<hbm>> -> memref<16x128xf32, #tpu.memory_space<hbm>>
      %dma_wait3A_496 = arith.constant 9984 : i32
      %dma_wait3A_497 = arith.constant 0 : i32
      %dma_wait3A_498 = tpu.memref_slice %arg19[%dma_wait3A_496, %dma_wait3A_497] : memref<10016x128xf32, #tpu.memory_space<vmem_shared>> -> memref<16x128xf32, #tpu.memory_space<vmem_shared>>
      tpu.wait_dma2 semaphore(%arg28 : memref<!tpu.dma_semaphore, #tpu.memory_space<semaphore_mem>>) src(%dma_wait3A_498 : memref<16x128xf32, #tpu.memory_space<vmem_shared>>) dst(%dma_wait3A_495 : memref<16x128xf32, #tpu.memory_space<hbm>>)
      %dma_start3A_499 = arith.constant 9984 : i32
      %dma_start3A_500 = arith.constant 0 : i32
      %dma_start3A_501 = tpu.memref_slice %arg18[%arg0, %dma_start3A_499, %dma_start3A_500] : memref<2x10000x8xf32, #tpu.memory_space<hbm>> -> memref<1x16x8xf32, #tpu.memory_space<hbm>>
      %dma_start3A_502 = tpu.memref_squeeze %dma_start3A_501 : memref<1x16x8xf32, #tpu.memory_space<hbm>> -> memref<16x8xf32, #tpu.memory_space<hbm>>
      %dma_start3A_503 = arith.constant 9984 : i32
      %dma_start3A_504 = arith.constant 0 : i32
      %dma_start3A_505 = tpu.memref_slice %arg20[%dma_start3A_503, %dma_start3A_504] : memref<10016x8xf32, #tpu.memory_space<vmem_shared>> -> memref<16x8xf32, #tpu.memory_space<vmem_shared>>
      tpu.enqueue_dma source(%dma_start3A_505 : memref<16x8xf32, #tpu.memory_space<vmem_shared>>) target(%dma_start3A_502 : memref<16x8xf32, #tpu.memory_space<hbm>>) target_semaphore(%arg29 : memref<!tpu.dma_semaphore, #tpu.memory_space<semaphore_mem>>)
      %dma_wait3A_506 = arith.constant 9984 : i32
      %dma_wait3A_507 = arith.constant 0 : i32
      %dma_wait3A_508 = tpu.memref_slice %arg18[%arg0, %dma_wait3A_506, %dma_wait3A_507] : memref<2x10000x8xf32, #tpu.memory_space<hbm>> -> memref<1x16x8xf32, #tpu.memory_space<hbm>>
      %dma_wait3A_509 = tpu.memref_squeeze %dma_wait3A_508 : memref<1x16x8xf32, #tpu.memory_space<hbm>> -> memref<16x8xf32, #tpu.memory_space<hbm>>
      %dma_wait3A_510 = arith.constant 9984 : i32
      %dma_wait3A_511 = arith.constant 0 : i32
      %dma_wait3A_512 = tpu.memref_slice %arg20[%dma_wait3A_510, %dma_wait3A_511] : memref<10016x8xf32, #tpu.memory_space<vmem_shared>> -> memref<16x8xf32, #tpu.memory_space<vmem_shared>>
      tpu.wait_dma2 semaphore(%arg29 : memref<!tpu.dma_semaphore, #tpu.memory_space<semaphore_mem>>) src(%dma_wait3A_512 : memref<16x8xf32, #tpu.memory_space<vmem_shared>>) dst(%dma_wait3A_509 : memref<16x8xf32, #tpu.memory_space<hbm>>)
    } else {
    }
    %dma_wait3A_474 = arith.constant 0 : i32
    %dma_wait3A_475 = tpu.memref_slice %arg17[%arg0, %multiple_of3A, %dma_wait3A_474] : memref<2x10000x128xf32, #tpu.memory_space<hbm>> -> memref<1x624x128xf32, #tpu.memory_space<hbm>>
    %dma_wait3A_476 = tpu.memref_squeeze %dma_wait3A_475 : memref<1x624x128xf32, #tpu.memory_space<hbm>> -> memref<624x128xf32, #tpu.memory_space<hbm>>
    %dma_wait3A_477 = arith.constant 0 : i32
    %dma_wait3A_478 = tpu.memref_slice %arg19[%multiple_of3A, %dma_wait3A_477] : memref<10016x128xf32, #tpu.memory_space<vmem_shared>> -> memref<624x128xf32, #tpu.memory_space<vmem_shared>>
    tpu.wait_dma2 semaphore(%arg26 : memref<!tpu.dma_semaphore, #tpu.memory_space<semaphore_mem>>) src(%dma_wait3A_478 : memref<624x128xf32, #tpu.memory_space<vmem_shared>>) dst(%dma_wait3A_476 : memref<624x128xf32, #tpu.memory_space<hbm>>)
    %dma_wait3A_479 = arith.constant 0 : i32
    %dma_wait3A_480 = tpu.memref_slice %arg18[%arg0, %multiple_of3A, %dma_wait3A_479] : memref<2x10000x8xf32, #tpu.memory_space<hbm>> -> memref<1x624x8xf32, #tpu.memory_space<hbm>>
    %dma_wait3A_481 = tpu.memref_squeeze %dma_wait3A_480 : memref<1x624x8xf32, #tpu.memory_space<hbm>> -> memref<624x8xf32, #tpu.memory_space<hbm>>
    %dma_wait3A_482 = arith.constant 0 : i32
    %dma_wait3A_483 = tpu.memref_slice %arg20[%multiple_of3A, %dma_wait3A_482] : memref<10016x8xf32, #tpu.memory_space<vmem_shared>> -> memref<624x8xf32, #tpu.memory_space<vmem_shared>>
    tpu.wait_dma2 semaphore(%arg27 : memref<!tpu.dma_semaphore, #tpu.memory_space<semaphore_mem>>) src(%dma_wait3A_483 : memref<624x8xf32, #tpu.memory_space<vmem_shared>>) dst(%dma_wait3A_481 : memref<624x8xf32, #tpu.memory_space<hbm>>)
    %barrier3A_484 = arith.constant 0 : index
    tpu.barrier barrier_id(%barrier3A_484)
    return
  }
}

module attributes {stable_mosaic.version = 14 : i64} {
  func.func @_tc_body(%arg0: i32, %arg1: memref<2x400x128xf32, #tpu.memory_space<vmem>>, %arg2: memref<2x400x8xf32, #tpu.memory_space<vmem>>, %arg3: memref<2x400x128xf32, #tpu.memory_space<vmem>>, %arg4: memref<2x400x8xf32, #tpu.memory_space<vmem>>, %arg5: memref<2x400x128xf32, #tpu.memory_space<vmem>>, %arg6: memref<2x400x8xf32, #tpu.memory_space<vmem>>, %arg7: memref<128x128xf32, #tpu.memory_space<vmem>>, %arg8: memref<1x128xf32, #tpu.memory_space<vmem>>, %arg9: memref<128x128xf32, #tpu.memory_space<vmem>>, %arg10: memref<1x128xf32, #tpu.memory_space<vmem>>, %arg11: memref<128x128xf32, #tpu.memory_space<vmem>>, %arg12: memref<1x128xf32, #tpu.memory_space<vmem>>, %arg13: memref<400x128xf32, #tpu.memory_space<vmem>>, %arg14: memref<400x128xf32, #tpu.memory_space<vmem>>) attributes {dimension_semantics = [#tpu.dimension_semantics<arbitrary>], iteration_bounds = array<i64: 25>, scalar_prefetch = 0 : i64, scratch_operands = 0 : i64, tpu.core_type = #tpu.core_type<tc>, window_params = [{transform_indices = @transform_0, window_bounds = array<i64: 2, 400, 128>}, {transform_indices = @transform_1, window_bounds = array<i64: 2, 400, 8>}, {transform_indices = @transform_2, window_bounds = array<i64: 2, 400, 128>}, {transform_indices = @transform_3, window_bounds = array<i64: 2, 400, 8>}, {transform_indices = @transform_4, window_bounds = array<i64: 2, 400, 128>}, {transform_indices = @transform_5, window_bounds = array<i64: 2, 400, 8>}, {pipeline_mode = #tpu.pipeline_mode<synchronous>, transform_indices = @transform_6, window_bounds = array<i64: 128, 128>}, {pipeline_mode = #tpu.pipeline_mode<synchronous>, transform_indices = @transform_7, window_bounds = array<i64: 1, 128>}, {pipeline_mode = #tpu.pipeline_mode<synchronous>, transform_indices = @transform_8, window_bounds = array<i64: 128, 128>}, {pipeline_mode = #tpu.pipeline_mode<synchronous>, transform_indices = @transform_9, window_bounds = array<i64: 1, 128>}, {pipeline_mode = #tpu.pipeline_mode<synchronous>, transform_indices = @transform_10, window_bounds = array<i64: 128, 128>}, {pipeline_mode = #tpu.pipeline_mode<synchronous>, transform_indices = @transform_11, window_bounds = array<i64: 1, 128>}, {transform_indices = @transform_12, window_bounds = array<i64: 400, 128>}, {transform_indices = @transform_13, window_bounds = array<i64: 400, 128>}]} {
    %get3A = arith.constant 0 : index
    %get3A_0 = arith.constant 0 : index
    %get3A_1 = arith.constant 0 : index
    %get3A_2 = vector.load %arg1[%get3A, %get3A_0, %get3A_1] : memref<2x400x128xf32, #tpu.memory_space<vmem>>, vector<1x400x128xf32>
    %get3A_3 = vector.shape_cast %get3A_2 : vector<1x400x128xf32> to vector<400x128xf32>
    %get3A_4 = arith.constant 1 : index
    %get3A_5 = arith.constant 0 : index
    %get3A_6 = arith.constant 0 : index
    %get3A_7 = vector.load %arg1[%get3A_4, %get3A_5, %get3A_6] : memref<2x400x128xf32, #tpu.memory_space<vmem>>, vector<1x400x128xf32>
    %get3A_8 = vector.shape_cast %get3A_7 : vector<1x400x128xf32> to vector<400x128xf32>
    %add3A = arith.addf %get3A_3, %get3A_8 : vector<400x128xf32>
    %get3A_9 = arith.constant 0 : index
    %get3A_10 = arith.constant 0 : index
    %get3A_11 = arith.constant 0 : index
    %get3A_12 = vector.load %arg2[%get3A_9, %get3A_10, %get3A_11] : memref<2x400x8xf32, #tpu.memory_space<vmem>>, vector<1x400x1xf32>
    %get3A_13 = vector.shape_cast %get3A_12 : vector<1x400x1xf32> to vector<400x1xf32>
    %get3A_14 = arith.constant 1 : index
    %get3A_15 = arith.constant 0 : index
    %get3A_16 = arith.constant 0 : index
    %get3A_17 = vector.load %arg2[%get3A_14, %get3A_15, %get3A_16] : memref<2x400x8xf32, #tpu.memory_space<vmem>>, vector<1x400x1xf32>
    %get3A_18 = vector.shape_cast %get3A_17 : vector<1x400x1xf32> to vector<400x1xf32>
    %add3A_19 = arith.addf %get3A_13, %get3A_18 : vector<400x1xf32>
    %max3A = arith.constant 1.000000e+00 : f32
    %max3A_20 = vector.broadcast %max3A : f32 to vector<400x1xf32>
    %max3A_21 = arith.maximumf %add3A_19, %max3A_20 : vector<400x1xf32>
    %div3A = vector.broadcast %max3A_21 : vector<400x1xf32> to vector<400x128xf32>
    %div3A_22 = arith.divf %add3A, %div3A : vector<400x128xf32>
    %get3A_23 = arith.constant 0 : index
    %get3A_24 = arith.constant 0 : index
    %get3A_25 = vector.load %arg7[%get3A_23, %get3A_24] : memref<128x128xf32, #tpu.memory_space<vmem>>, vector<128x128xf32>
    %dot_general3A = arith.constant dense<0.000000e+00> : vector<400x128xf32>
    %dot_general3A_26 = tpu.matmul %div3A_22, %get3A_25, %dot_general3A {dimension_numbers = #tpu.dot_dimension_numbers<[1], [1], [0], [0], [0, 0, 1, 0], [], []>, precision = #tpu.contract_precision<fp32>, transpose_lhs_hint = false} : vector<400x128xf32>, vector<128x128xf32>, vector<400x128xf32> -> vector<400x128xf32>
    %get3A_27 = arith.constant 0 : index
    %get3A_28 = arith.constant 0 : index
    %get3A_29 = vector.load %arg8[%get3A_27, %get3A_28] : memref<1x128xf32, #tpu.memory_space<vmem>>, vector<1x128xf32>
    %add3A_30 = vector.broadcast %get3A_29 : vector<1x128xf32> to vector<400x128xf32>
    %add3A_31 = arith.addf %dot_general3A_26, %add3A_30 : vector<400x128xf32>
    %gt3A = arith.constant 0.000000e+00 : f32
    %gt3A_32 = vector.broadcast %gt3A : f32 to vector<400x1xf32>
    %gt3A_33 = arith.cmpf ogt, %add3A_19, %gt3A_32 : vector<400x1xf32>
    %jit3A = arith.constant 0.000000e+00 : f32
    %broadcast_in_dim3A = vector.shape_cast %gt3A_33 : vector<400x1xi1> to vector<400x1xi1>
    %broadcast_in_dim3A_34 = vector.broadcast %broadcast_in_dim3A : vector<400x1xi1> to vector<400x128xi1>
    %broadcast_in_dim3A_35 = vector.broadcast %jit3A : f32 to vector<400x128xf32>
    %select_n3A = arith.select %broadcast_in_dim3A_34, %add3A_31, %broadcast_in_dim3A_35 : vector<400x128xi1>, vector<400x128xf32>
    %get3A_36 = arith.constant 0 : index
    %get3A_37 = arith.constant 0 : index
    %get3A_38 = arith.constant 0 : index
    %get3A_39 = vector.load %arg3[%get3A_36, %get3A_37, %get3A_38] : memref<2x400x128xf32, #tpu.memory_space<vmem>>, vector<1x400x128xf32>
    %get3A_40 = vector.shape_cast %get3A_39 : vector<1x400x128xf32> to vector<400x128xf32>
    %get3A_41 = arith.constant 1 : index
    %get3A_42 = arith.constant 0 : index
    %get3A_43 = arith.constant 0 : index
    %get3A_44 = vector.load %arg3[%get3A_41, %get3A_42, %get3A_43] : memref<2x400x128xf32, #tpu.memory_space<vmem>>, vector<1x400x128xf32>
    %get3A_45 = vector.shape_cast %get3A_44 : vector<1x400x128xf32> to vector<400x128xf32>
    %add3A_46 = arith.addf %get3A_40, %get3A_45 : vector<400x128xf32>
    %get3A_47 = arith.constant 0 : index
    %get3A_48 = arith.constant 0 : index
    %get3A_49 = arith.constant 0 : index
    %get3A_50 = vector.load %arg4[%get3A_47, %get3A_48, %get3A_49] : memref<2x400x8xf32, #tpu.memory_space<vmem>>, vector<1x400x1xf32>
    %get3A_51 = vector.shape_cast %get3A_50 : vector<1x400x1xf32> to vector<400x1xf32>
    %get3A_52 = arith.constant 1 : index
    %get3A_53 = arith.constant 0 : index
    %get3A_54 = arith.constant 0 : index
    %get3A_55 = vector.load %arg4[%get3A_52, %get3A_53, %get3A_54] : memref<2x400x8xf32, #tpu.memory_space<vmem>>, vector<1x400x1xf32>
    %get3A_56 = vector.shape_cast %get3A_55 : vector<1x400x1xf32> to vector<400x1xf32>
    %add3A_57 = arith.addf %get3A_51, %get3A_56 : vector<400x1xf32>
    %max3A_58 = arith.constant 1.000000e+00 : f32
    %max3A_59 = vector.broadcast %max3A_58 : f32 to vector<400x1xf32>
    %max3A_60 = arith.maximumf %add3A_57, %max3A_59 : vector<400x1xf32>
    %div3A_61 = vector.broadcast %max3A_60 : vector<400x1xf32> to vector<400x128xf32>
    %div3A_62 = arith.divf %add3A_46, %div3A_61 : vector<400x128xf32>
    %get3A_63 = arith.constant 0 : index
    %get3A_64 = arith.constant 0 : index
    %get3A_65 = vector.load %arg9[%get3A_63, %get3A_64] : memref<128x128xf32, #tpu.memory_space<vmem>>, vector<128x128xf32>
    %dot_general3A_66 = arith.constant dense<0.000000e+00> : vector<400x128xf32>
    %dot_general3A_67 = tpu.matmul %div3A_62, %get3A_65, %dot_general3A_66 {dimension_numbers = #tpu.dot_dimension_numbers<[1], [1], [0], [0], [0, 0, 1, 0], [], []>, precision = #tpu.contract_precision<fp32>, transpose_lhs_hint = false} : vector<400x128xf32>, vector<128x128xf32>, vector<400x128xf32> -> vector<400x128xf32>
    %get3A_68 = arith.constant 0 : index
    %get3A_69 = arith.constant 0 : index
    %get3A_70 = vector.load %arg10[%get3A_68, %get3A_69] : memref<1x128xf32, #tpu.memory_space<vmem>>, vector<1x128xf32>
    %add3A_71 = vector.broadcast %get3A_70 : vector<1x128xf32> to vector<400x128xf32>
    %add3A_72 = arith.addf %dot_general3A_67, %add3A_71 : vector<400x128xf32>
    %gt3A_73 = arith.constant 0.000000e+00 : f32
    %gt3A_74 = vector.broadcast %gt3A_73 : f32 to vector<400x1xf32>
    %gt3A_75 = arith.cmpf ogt, %add3A_57, %gt3A_74 : vector<400x1xf32>
    %jit3A_76 = arith.constant 0.000000e+00 : f32
    %broadcast_in_dim3A_77 = vector.shape_cast %gt3A_75 : vector<400x1xi1> to vector<400x1xi1>
    %broadcast_in_dim3A_78 = vector.broadcast %broadcast_in_dim3A_77 : vector<400x1xi1> to vector<400x128xi1>
    %broadcast_in_dim3A_79 = vector.broadcast %jit3A_76 : f32 to vector<400x128xf32>
    %select_n3A_80 = arith.select %broadcast_in_dim3A_78, %add3A_72, %broadcast_in_dim3A_79 : vector<400x128xi1>, vector<400x128xf32>
    %add3A_81 = arith.addf %select_n3A, %select_n3A_80 : vector<400x128xf32>
    %swap3A = arith.constant 0 : index
    %swap3A_82 = arith.constant 0 : index
    %swap3A_83 = vector.load %arg13[%swap3A, %swap3A_82] : memref<400x128xf32, #tpu.memory_space<vmem>>, vector<400x128xf32>
    tpu.vector_store %arg13[%swap3A, %swap3A_82], %add3A_81 {strides = array<i32>} : memref<400x128xf32, #tpu.memory_space<vmem>>, vector<400x128xf32>,
    %get3A_84 = arith.constant 0 : index
    %get3A_85 = arith.constant 0 : index
    %get3A_86 = arith.constant 0 : index
    %get3A_87 = vector.load %arg5[%get3A_84, %get3A_85, %get3A_86] : memref<2x400x128xf32, #tpu.memory_space<vmem>>, vector<1x400x128xf32>
    %get3A_88 = vector.shape_cast %get3A_87 : vector<1x400x128xf32> to vector<400x128xf32>
    %get3A_89 = arith.constant 1 : index
    %get3A_90 = arith.constant 0 : index
    %get3A_91 = arith.constant 0 : index
    %get3A_92 = vector.load %arg5[%get3A_89, %get3A_90, %get3A_91] : memref<2x400x128xf32, #tpu.memory_space<vmem>>, vector<1x400x128xf32>
    %get3A_93 = vector.shape_cast %get3A_92 : vector<1x400x128xf32> to vector<400x128xf32>
    %add3A_94 = arith.addf %get3A_88, %get3A_93 : vector<400x128xf32>
    %get3A_95 = arith.constant 0 : index
    %get3A_96 = arith.constant 0 : index
    %get3A_97 = arith.constant 0 : index
    %get3A_98 = vector.load %arg6[%get3A_95, %get3A_96, %get3A_97] : memref<2x400x8xf32, #tpu.memory_space<vmem>>, vector<1x400x1xf32>
    %get3A_99 = vector.shape_cast %get3A_98 : vector<1x400x1xf32> to vector<400x1xf32>
    %get3A_100 = arith.constant 1 : index
    %get3A_101 = arith.constant 0 : index
    %get3A_102 = arith.constant 0 : index
    %get3A_103 = vector.load %arg6[%get3A_100, %get3A_101, %get3A_102] : memref<2x400x8xf32, #tpu.memory_space<vmem>>, vector<1x400x1xf32>
    %get3A_104 = vector.shape_cast %get3A_103 : vector<1x400x1xf32> to vector<400x1xf32>
    %add3A_105 = arith.addf %get3A_99, %get3A_104 : vector<400x1xf32>
    %max3A_106 = arith.constant 1.000000e+00 : f32
    %max3A_107 = vector.broadcast %max3A_106 : f32 to vector<400x1xf32>
    %max3A_108 = arith.maximumf %add3A_105, %max3A_107 : vector<400x1xf32>
    %div3A_109 = vector.broadcast %max3A_108 : vector<400x1xf32> to vector<400x128xf32>
    %div3A_110 = arith.divf %add3A_94, %div3A_109 : vector<400x128xf32>
    %get3A_111 = arith.constant 0 : index
    %get3A_112 = arith.constant 0 : index
    %get3A_113 = vector.load %arg11[%get3A_111, %get3A_112] : memref<128x128xf32, #tpu.memory_space<vmem>>, vector<128x128xf32>
    %dot_general3A_114 = arith.constant dense<0.000000e+00> : vector<400x128xf32>
    %dot_general3A_115 = tpu.matmul %div3A_110, %get3A_113, %dot_general3A_114 {dimension_numbers = #tpu.dot_dimension_numbers<[1], [1], [0], [0], [0, 0, 1, 0], [], []>, precision = #tpu.contract_precision<fp32>, transpose_lhs_hint = false} : vector<400x128xf32>, vector<128x128xf32>, vector<400x128xf32> -> vector<400x128xf32>
    %get3A_116 = arith.constant 0 : index
    %get3A_117 = arith.constant 0 : index
    %get3A_118 = vector.load %arg12[%get3A_116, %get3A_117] : memref<1x128xf32, #tpu.memory_space<vmem>>, vector<1x128xf32>
    %add3A_119 = vector.broadcast %get3A_118 : vector<1x128xf32> to vector<400x128xf32>
    %add3A_120 = arith.addf %dot_general3A_115, %add3A_119 : vector<400x128xf32>
    %gt3A_121 = arith.constant 0.000000e+00 : f32
    %gt3A_122 = vector.broadcast %gt3A_121 : f32 to vector<400x1xf32>
    %gt3A_123 = arith.cmpf ogt, %add3A_105, %gt3A_122 : vector<400x1xf32>
    %jit3A_124 = arith.constant 0.000000e+00 : f32
    %broadcast_in_dim3A_125 = vector.shape_cast %gt3A_123 : vector<400x1xi1> to vector<400x1xi1>
    %broadcast_in_dim3A_126 = vector.broadcast %broadcast_in_dim3A_125 : vector<400x1xi1> to vector<400x128xi1>
    %broadcast_in_dim3A_127 = vector.broadcast %jit3A_124 : f32 to vector<400x128xf32>
    %select_n3A_128 = arith.select %broadcast_in_dim3A_126, %add3A_120, %broadcast_in_dim3A_127 : vector<400x128xi1>, vector<400x128xf32>
    %swap3A_129 = arith.constant 0 : index
    %swap3A_130 = arith.constant 0 : index
    %swap3A_131 = vector.load %arg14[%swap3A_129, %swap3A_130] : memref<400x128xf32, #tpu.memory_space<vmem>>, vector<400x128xf32>
    tpu.vector_store %arg14[%swap3A_129, %swap3A_130], %select_n3A_128 {strides = array<i32>} : memref<400x128xf32, #tpu.memory_space<vmem>>, vector<400x128xf32>,
    return
  }
  func.func @transform_0(%arg0: i32) -> (i32, i32, i32) {
    %c0_i32 = arith.constant 0 : i32
    %c0_i32_0 = arith.constant 0 : i32
    %c0_i32_1 = arith.constant 0 : i32
    return %c0_i32, %arg0, %c0_i32_0 : i32, i32, i32
  }
  func.func @transform_1(%arg0: i32) -> (i32, i32, i32) {
    %c0_i32 = arith.constant 0 : i32
    %c0_i32_0 = arith.constant 0 : i32
    %c0_i32_1 = arith.constant 0 : i32
    return %c0_i32, %arg0, %c0_i32_0 : i32, i32, i32
  }
  func.func @transform_2(%arg0: i32) -> (i32, i32, i32) {
    %c0_i32 = arith.constant 0 : i32
    %c0_i32_0 = arith.constant 0 : i32
    %c0_i32_1 = arith.constant 0 : i32
    return %c0_i32, %arg0, %c0_i32_0 : i32, i32, i32
  }
  func.func @transform_3(%arg0: i32) -> (i32, i32, i32) {
    %c0_i32 = arith.constant 0 : i32
    %c0_i32_0 = arith.constant 0 : i32
    %c0_i32_1 = arith.constant 0 : i32
    return %c0_i32, %arg0, %c0_i32_0 : i32, i32, i32
  }
  func.func @transform_4(%arg0: i32) -> (i32, i32, i32) {
    %c0_i32 = arith.constant 0 : i32
    %c0_i32_0 = arith.constant 0 : i32
    %c0_i32_1 = arith.constant 0 : i32
    return %c0_i32, %arg0, %c0_i32_0 : i32, i32, i32
  }
  func.func @transform_5(%arg0: i32) -> (i32, i32, i32) {
    %c0_i32 = arith.constant 0 : i32
    %c0_i32_0 = arith.constant 0 : i32
    %c0_i32_1 = arith.constant 0 : i32
    return %c0_i32, %arg0, %c0_i32_0 : i32, i32, i32
  }
  func.func @transform_6(%arg0: i32) -> (i32, i32) {
    %c0_i32 = arith.constant 0 : i32
    %c0_i32_0 = arith.constant 0 : i32
    %c0_i32_1 = arith.constant 0 : i32
    return %c0_i32, %c0_i32_0 : i32, i32
  }
  func.func @transform_7(%arg0: i32) -> (i32, i32) {
    %c0_i32 = arith.constant 0 : i32
    %c0_i32_0 = arith.constant 0 : i32
    %c0_i32_1 = arith.constant 0 : i32
    return %c0_i32, %c0_i32_0 : i32, i32
  }
  func.func @transform_8(%arg0: i32) -> (i32, i32) {
    %c0_i32 = arith.constant 0 : i32
    %c0_i32_0 = arith.constant 0 : i32
    %c0_i32_1 = arith.constant 0 : i32
    return %c0_i32, %c0_i32_0 : i32, i32
  }
  func.func @transform_9(%arg0: i32) -> (i32, i32) {
    %c0_i32 = arith.constant 0 : i32
    %c0_i32_0 = arith.constant 0 : i32
    %c0_i32_1 = arith.constant 0 : i32
    return %c0_i32, %c0_i32_0 : i32, i32
  }
  func.func @transform_10(%arg0: i32) -> (i32, i32) {
    %c0_i32 = arith.constant 0 : i32
    %c0_i32_0 = arith.constant 0 : i32
    %c0_i32_1 = arith.constant 0 : i32
    return %c0_i32, %c0_i32_0 : i32, i32
  }
  func.func @transform_11(%arg0: i32) -> (i32, i32) {
    %c0_i32 = arith.constant 0 : i32
    %c0_i32_0 = arith.constant 0 : i32
    %c0_i32_1 = arith.constant 0 : i32
    return %c0_i32, %c0_i32_0 : i32, i32
  }
  func.func @transform_12(%arg0: i32) -> (i32, i32) {
    %c0_i32 = arith.constant 0 : i32
    %c0_i32_0 = arith.constant 0 : i32
    return %arg0, %c0_i32 : i32, i32
  }
  func.func @transform_13(%arg0: i32) -> (i32, i32) {
    %c0_i32 = arith.constant 0 : i32
    %c0_i32_0 = arith.constant 0 : i32
    return %arg0, %c0_i32 : i32, i32
  }
}

</mosaic_0001>

<sc_bundles>
// kernel: kernel.4.cloned.1.call-start
scs
__scs_entry_jumppad:
0x0: {  	(pc) =	sbr.rel $0x88, $3  }
0x1: {  	(tag) =	ssettag $0x0;
	lr =	simm.s32 $0x1  }
0x2: {  	[smem:$0x3F96] =	sst lr;
	_ =	strace $0xD0000000  }
0x3: {  	_ = 	snop  }
0x4: {  	_ = 	snop  }
0x5: {  	_ = 	snop  }
0x6: {  	_ = 	snop  }
0x7: {  	_ = 	snop  }
__scs_overlays_trampoline_lowered:
0x8: {  	[smem:$0x3FA5] =	sst s0  }
0x9: {  	[smem:$0x3FA6] =	sst s1  }
0xa: {  	[smem:$0x3FA7] =	sst s2  }
0xb: {  	[smem:$0x3FA8] =	sst s3  }
0xc: {  	[smem:$0x3FA9] =	sst s4  }
0xd: {  	[smem:$0x3FAA] =	sst s5  }
0xe: {  	[smem:$0x3FAB] =	sst s6  }
0xf: {  	[smem:$0x3FAC] =	sst s7  }
0x10: {  	[smem:$0x3FAD] =	sst s8  }
0x11: {  	[smem:$0x3FAE] =	sst s9;
	s0 =	simm.s32 @!p0 $0x0  }
0x12: {  	s1 =	sld [smem:$0x3F94];
	s0 =	simm.s32 @p0 $0x1  }
0x13: {  	[smem:$0x3FAF] =	sst s0;
	s0 =	simm.s32 @!p1 $0x0  }
0x14: {  	s2 =	sld [smem:$0x3F93];
	s0 =	simm.s32 @p1 $0x1  }
0x15: {  	[smem:$0x3FB0] =	sst s0;
	s0 =	simm.s32 @!p2 $0x0  }
0x16: {  	s3 =	sld [smem:$0x3FDB];
	s0 =	simm.s32 @p2 $0x1  }
0x17: {  	s4 =	simm.s32 $0x1BF5;
	[smem:$0x3FB2] =	sst s0  }
0x18: {  	s0 =	sld [smem:$0x3F95];
	_ =	swait.ge [sflag:s4], $0x0  }
0x19: {  	s7 =	sld [smem:$0x3F96]  }
0x1a: {  	s8 =	sadd.s32 $0xFFFFE003, lr  }
0x1b: {  	s9 =	sadd.s32 $0xFFFFFEF7, lr;
	s5 =	simm.s32 $0xFFFFFFFF;
	p2 =	slt.u32 s8, $0xFFFFF086  }
0x1c: {  	p1 =	slt.u32 s9, $0xF7A;
	s5 =	simm.s32 @!p2 $0x0  }
0x1d: {  	s5 =	simm.s32 @p1 $0x1;
	p0 =	seq.s32 s7, s2  }
0x1e: {  	s7 =	smul.u32 @!p0 $0xF7A, s2;
	p2 =	seq.s32 @!p0 s5, $0x0  }
0x1f: {  	s9 =	smul.u32 $0xF7A, s1;
	s8 =	simm.s32 @!p0 $0x1BF5;
	p2 =	por !p2, p0  }
0x20: {  	[sflag:s8] =	ssyncset.s32 @!p0 $0xFFFFF086;
	s6 =	sadd.s32 @!p0 s3, s7;
	s7 =	simm.s32 @!p0 $0x108  }
0x21: {  	s3 =	sadd.s32 s3, s9;
	s6 =	sadd.s32 @!p0 $0x88, s6;
	s7 =	simm.s32 @p2 $0x1082  }
0x22: {  	[simem:s7], [sflag:s8] =	dma.local @!p0 [hbm:s6], $0xF7A  }
0x23: {  	s9 =	sor.u32 $0xD0000000, s2;
	s6 =	simm.s32 $0x108;
	_ =	swait.ge @!p0 [sflag:s8], $0x0  }
0x24: {  	s3 =	sadd.s32 $0x88, s3;
	s6 =	simm.s32 @!p1 $0x1082;
	[sflag:s4] =	ssyncset.s32 $0xFFFFF086  }
0x25: {  	[simem:s6], [sflag:s4] =	dma.local [hbm:s3], $0xF7A  }
0x26: {  	[smem:$0x3F96] =	sst s1;
	(tag) =	ssettag s2;
	_ =	strace s9  }
0x27: {  	s1 =	sld [smem:$0x3FA6]  }
0x28: {  	s2 =	sld [smem:$0x3FA7]  }
0x29: {  	s4 =	sld [smem:$0x3FA9]  }
0x2a: {  	p0 =	seq.s32 s5, $0x0;
	s5 =	sld [smem:$0x3FAA]  }
0x2b: {  	s6 =	sld [smem:$0x3FAB]  }
0x2c: {  	s7 =	sld [smem:$0x3FAC]  }
0x2d: {  	s3 =	simm.s32 $0x108;
	s8 =	sld [smem:$0x3FAD]  }
0x2e: {  	s3 =	simm.s32 @!p0 $0x1082;
	s9 =	sld [smem:$0x3FAE]  }
0x2f: {  	lr =	sadd.s32 s0, s3;
	s0 =	sld [smem:$0x3FA5]  }
0x30: {  	s3 =	sld [smem:$0x3FA8]  }
0x31: {  	[smem:$0x3FB1] =	sst s10  }
0x32: {  	s10 =	sld [smem:$0x3FAF];
	_ =	sdelay $0x3  }
0x33: {  	p0 =	seq.s32 s10, $0x1;
	s10 =	sld [smem:$0x3FB1];
	_ =	sdelay $0x3  }
0x34: {  	[smem:$0x3FB1] =	sst s10  }
0x35: {  	s10 =	sld [smem:$0x3FB0];
	_ =	sdelay $0x3  }
0x36: {  	p1 =	seq.s32 s10, $0x1;
	s10 =	sld [smem:$0x3FB1];
	_ =	sdelay $0x3  }
0x37: {  	[smem:$0x3FB1] =	sst s10  }
0x38: {  	s10 =	sld [smem:$0x3FB2]  }
0x39: {  	_ = 	snop;
	(pc) =	sbr.ind lr, $3  }
0x3a: {  	_ = 	snop  }
0x3b: {  	_ = 	snop  }
0x3c: {  	p2 =	seq.s32 s10, $0x1;
	s10 =	sld [smem:$0x3FB1]  }
0x3d: {  	_ =	shalt  }
0x3e: {  	_ =	shalt  }
0x3f: {  	_ =	shalt  }
0x40: {  	_ =	shalt  }
0x41: {  	_ =	shalt  }
0x42: {  	_ =	shalt  }
0x43: {  	_ =	shalt  }
0x44: {  	_ =	shalt  }
0x45: {  	_ =	shalt  }
0x46: {  	_ =	shalt  }
0x47: {  	_ =	shalt  }
0x48: {  	_ =	shalt  }
0x49: {  	_ =	shalt  }
0x4a: {  	_ =	shalt  }
0x4b: {  	_ =	shalt  }
0x4c: {  	_ =	shalt  }
0x4d: {  	_ =	shalt  }
0x4e: {  	_ =	shalt  }
0x4f: {  	_ =	shalt  }
0x50: {  	_ =	shalt  }
0x51: {  	_ =	shalt  }
0x52: {  	_ =	shalt  }
0x53: {  	_ =	shalt  }
0x54: {  	_ =	shalt  }
0x55: {  	_ =	shalt  }
0x56: {  	_ =	shalt  }
0x57: {  	_ =	shalt  }
0x58: {  	_ =	shalt  }
0x59: {  	_ =	shalt  }
0x5a: {  	_ =	shalt  }
0x5b: {  	_ =	shalt  }
0x5c: {  	_ =	shalt  }
0x5d: {  	_ =	shalt  }
0x5e: {  	_ =	shalt  }
0x5f: {  	_ =	shalt  }
0x60: {  	_ =	shalt  }
0x61: {  	_ =	shalt  }
0x62: {  	_ =	shalt  }
0x63: {  	_ =	shalt  }
0x64: {  	_ =	shalt  }
0x65: {  	_ =	shalt  }
0x66: {  	_ =	shalt  }
0x67: {  	_ =	shalt  }
0x68: {  	_ =	shalt  }
0x69: {  	_ =	shalt  }
0x6a: {  	_ =	shalt  }
0x6b: {  	_ =	shalt  }
0x6c: {  	_ =	shalt  }
0x6d: {  	_ =	shalt  }
0x6e: {  	_ =	shalt  }
0x6f: {  	_ =	shalt  }
0x70: {  	_ =	shalt  }
0x71: {  	_ =	shalt  }
0x72: {  	_ =	shalt  }
0x73: {  	_ =	shalt  }
0x74: {  	_ =	shalt  }
0x75: {  	_ =	shalt  }
0x76: {  	_ =	shalt  }
0x77: {  	_ =	shalt  }
0x78: {  	_ =	shalt  }
0x79: {  	_ =	shalt  }
0x7a: {  	_ =	shalt  }
0x7b: {  	_ =	shalt  }
0x7c: {  	_ =	shalt  }
0x7d: {  	_ =	shalt  }
0x7e: {  	_ =	shalt  }
0x7f: {  	_ =	shalt  }
0x80: {  	_ =	shalt  }
0x81: {  	_ =	shalt  }
0x82: {  	_ =	shalt  }
0x83: {  	_ =	shalt  }
0x84: {  	_ =	shalt  }
0x85: {  	_ =	shalt  }
0x86: {  	_ =	shalt  }
0x87: {  	_ =	shalt  }
.Lfunc_end0:
.L_simem_size_0:
called_computation_lowered:
.L_overlay_start_0:
0x88: {  	s2 =	sld [smem:$0x3FD9]  }
0x89: {  	s3 =	sld [smem:$0x3FFE];
	_ =	sdelay $0x1  }
0x8a: {  	s1 =	srdreg.scid  }
0x8b: {  	s0 =	sand.u32 $0x1, s1  }
0x8c: {  	s14 =	sshll.u32 s0, $0xA;
	s2 =	sadd.s32 s3, s2  }
0x8d: {  	s2 =	sadd.s32 s2, s14  }
0x8e: {  	[smem:$0x3FBD] =	sst s2  }
0x8f: {  	_ = 	snop  }
0x90: {  	s2 =	sld [smem:$0x3FD0];
	_ =	sdelay $0x1  }
0x91: {  	s15 =	sld [smem:$0x3FC9]  }
0x92: {  	s5 =	simm.s32 $0xA;
	s6 =	simm.s32 $0x10;
	s4 =	sld [smem:$0x3FC8]  }
0x93: {  	[smem:s6], [sflag:s5] =	dma.local [hbm:s2], $0x1  }
0x94: {  	_ =	swait.eq [sflag:s5], $0x1  }
0x95: {  	[sflag:s5] =	ssyncset.done $0x0  }
0x96: {  	s16 =	sld [smem:$0x10];
	[sflag:s5] =	ssyncadd.s32 $0xFFFFFFFF  }
0x97: {  	s17 =	sld [smem:$0x11];
	(tm) =	ssettm $0x1  }
0x98: {  	s18 =	sld [smem:$0x3FFB];
	_ =	sdelay $0x3  }
0x99: {  	_ =	strace s18  }
0x9a: {  	s6 =	sld [smem:$0x3FFC];
	_ =	sdelay $0x3  }
0x9b: {  	_ =	strace s6  }
0x9c: {  	s6 =	sld [smem:$0x3FFD];
	_ =	sdelay $0x3  }
0x9d: {  	_ =	strace s6  }
0x9e: {  	_ =	strace $0x8FFFFFFF  }
0x9f: {  	s19 =	sld [smem:$0x3FDB];
	_ =	sdelay $0x1  }
0xa0: {  	s7 =	simm.s32 $_scs_section_size  }
0xa1: {  	s8 =	simm.s32 $_size__tile_overlayer_lowered;
	s9 =	simm.s32 $_tile_overlayer_lowered  }
0xa2: {  	s22 =	simm.s32 $0x1BFF;
	s21 =	sshll.u32 s9, $0x1;
	s6 =	sadd.s32 s7, s19  }
0xa3: {  	s10 =	simm.s32 $0x0;
	s20 =	sshll.u32 s8, $0x1;
	s8 =	sadd.s32 s21, s6  }
0xa4: {  	[timem:s10], [sflag:s22] =	dma.local [hbm:s8], s20  }
0xa5: {  	_ =	swait.ge [sflag:s22], s20  }
0xa6: {  	s7 =	ssub.s32 $0x0, s20;
	[sflag:s22] =	ssyncset.done $0x0  }
0xa7: {  	[sflag:s22] =	ssyncadd.s32 s7;
	_ =	sdelay $0x1  }
0xa8: {  	s23 =	simm.s32 $0x1B8B  }
0xa9: {  	_ =	swait.ge [sflag:s23], $0x1  }
0xaa: {  	[sflag:s23] =	ssyncset.done $0x0  }
0xab: {  	s25 =	simm.s32 $0x1B8E;
	s24 =	sld [smem:$0x3FFE];
	[sflag:s23] =	ssyncadd.s32 $0xFFFFFFFF  }
0xac: {  	s26 =	simm.s32 $execute0_lowered;
	[smem:$0x3FD2] =	sst s25  }
0xad: {  	s8 =	sshll.u32 s26, $0x1;
	_ =	strace $0x80000046;
	[dreg:$0x1] =	wrdreg $0xFFFFFFFF  }
0xae: {  	s28 =	simm.s32 $_size_execute0_lowered;
	s6 =	sadd.s32 s6, s8;
	[dreg:$0x0] =	wrdreg $0x0  }
0xaf: {  	s8 =	sshll.u32 s28, $0x1;
	[dreg:$0x2] =	wrdreg s6  }
0xb0: {  	[dreg:$0x3] =	wrdreg s8  }
0xb1: {  	[dreg:$0x4] =	wrdreg $0xC0  }
0xb2: {  	_ =	task [dreg:s10], $0x5FFFF  }
0xb3: {  	[dreg:$0x1] =	wrdreg $0xFFFFFFFF  }
0xb4: {  	[dreg:$0x0] =	wrdreg $0x60  }
0xb5: {  	[dreg:$0x2] =	wrdreg s15  }
0xb6: {  	[dreg:$0x3] =	wrdreg s4  }
0xb7: {  	[dreg:$0x4] =	wrdreg s24  }
0xb8: {  	[dreg:$0x5] =	wrdreg s17  }
0xb9: {  	[dreg:$0x6] =	wrdreg s16  }
0xba: {  	[dreg:$0x7] =	wrdreg $0x0  }
0xbb: {  	[dreg:$0x8] =	wrdreg $0x139000  }
0xbc: {  	[dreg:$0x9] =	wrdreg $0x9  }
0xbd: {  	_ =	task.clear_ibuf [dreg:s10], $0xAFFFF;
	_ =	strace $0x90000046  }
0xbe: {  	s29 =	simm.s32 $0x9;
	_ =	strace $0x80000048  }
0xbf: {  	_ =	swait.ge [sflag:s29], $0x1  }
0xc0: {  	[sflag:s29] =	ssyncadd.s32 $0xFFFFFFFF  }
0xc1: {  	_ =	strace $0x90000048  }
0xc2: {  	_ =	sfence  }
0xc3: {  	s30 =	sld [smem:$0x0];
	_ =	sdelay $0x2  }
0xc4: {  	s31 =	sshll.u32 s1, $0xD;
	s1 =	sshrl.u32 s1, $0x2  }
0xc5: {  	s3 =	sand.u32 $0x4000, s31;
	s1 =	sadd.s32 s1, s30  }
0xc6: {  	s0 =	sor.u32 s3, s0;
	s1 =	sshll.u32 s1, $0x11  }
0xc7: {  	s0 =	sor.u32 s1, s0  }
0xc8: {  	s0 =	sadd.s32 $0x8F2B, s0  }
0xc9: {  	[sflag:s0] =	ssyncadd.remote.s32 $0x1  }
0xca: {  	_ =	sfence.sel $0xFFFF  }
0xcb: {  	[dreg:$0x0] =	wrdreg $0xFFFFFFFF;
	(pc) =	sbr.abs _section_cstart, $3  }
0xcc: {  	[dreg:$0x1] =	wrdreg $0xFFFFFFFF  }
0xcd: {  	_ =	task.clear_ibuf [dreg:s10], $0x2FFFF;
	_ =	strace $0x9FFFFFFF  }
0xce: {  	(tm) =	ssettm $0x7FFFFFFF  }
0xcf: {  	_ =	shalt  }
tec
execute0_lowered:
.L_overlay_start_1:
0x0: {  	(tag) =	ssettag $0x1  }
0x1: {  	s0 =	rddreg [dreg:$0x0]  }
0x2: {  	s1 =	rddreg [dreg:$0x1]  }
0x3: {  	s20 =	rddreg [dreg:$0x2]  }
0x4: {  	s2 =	rddreg [dreg:$0x3]  }
0x5: {  	s5 =	rddreg [dreg:$0x4]  }
0x6: {  	s3 =	srdreg.scid;
	s4 =	rddreg [dreg:$0x5]  }
0x7: {  	s21 =	stileid.u32;
	s6 =	rddreg [dreg:$0x6]  }
0x8: {  	s3 =	sand.u32 $0x1, s3;
	s9 =	smul.u32 $0x13800, s21;
	s10 =	sadd.s32 $0x39600, s20  }
0x9: {  	s11 =	sadd.s32 $0x2A600, s20;
	s13 =	sadd.s32 $0x87800, s20;
	s14 =	sadd.s32 $0x34600, s20  }
0xa: {  	s15 =	smul.u32 $0x1380, s21;
	s18 =	sadd.s32 $0xD5A00, s20;
	p0 =	sne.s32 s21, $0x0  }
0xb: {  	s7 =	sshll.u32 s3, $0x4;
	s12 =	smul.u32 $0x138800, s3;
	s16 =	ssub.s32 $0x2, s3  }
0xc: {  	s3 =	smul.u32 $0x13880, s3;
	s8 =	sor.u32 s21, s7;
	s7 =	simm.s32 $0x0  }
0xd: {  	s30 =	sadd.s32 $0x27E00, s20;
	[smem:$0x7FF] =	sst s7;
	s17 =	sadd.s32 s9, s12  }
0xe: {  	s23 =	sadd.s32 s15, s3;
	s12 =	sshrl.u32 s12, $0x3;
	s17 =	sshrl.u32 s17, $0x3  }
0xf: {  	s3 =	sshrl.u32 s3, $0x3;
	s12 =	sadd.s32 $0x27000, s12;
	s22 =	sadd.s32 s10, s17  }
0x10: {  	s3 =	sadd.s32 $0x2700, s3;
	s10 =	sadd.s32 s10, s12;
	[dreg:$0x8] =	wrdreg s22  }
0x11: {  	s31 =	sadd.s32 $0x27A00, s20;
	s24 =	sadd.s32 s11, s3;
	[dreg:$0xa] =	wrdreg s10  }
0x12: {  	s19 =	sshrl.u32 s16, $0x1;
	s25 =	sadd.s32 s13, s17;
	[dreg:$0xb] =	wrdreg s24  }
0x13: {  	s21 =	simm.s32 $0x0;
	s26 =	sadd.s32 s13, s12;
	[dreg:$0xc] =	wrdreg s25  }
0x14: {  	s8 =	smul.u32 $0x4E6, s8;
	s28 =	sadd.s32 s18, s17;
	[dreg:$0xd] =	wrdreg s26  }
0x15: {  	s16 =	ssub.s32 s16, s19;
	s29 =	sadd.s32 s18, s12;
	[dreg:$0xe] =	wrdreg s28  }
0x16: {  	s19 =	sshrl.u32 s23, $0x3;
	s12 =	sadd.s32 s14, s3;
	[dreg:$0xf] =	wrdreg s29  }
0x17: {  	s13 =	sadd.s32 $0x2F600, s20;
	s22 =	sadd.s32 s11, s19;
	[dreg:$0x11] =	wrdreg s12  }
0x18: {  	s2 =	sadd.s32 s2, s8;
	s11 =	sadd.s32 s14, s19;
	[dreg:$0x9] =	wrdreg s22  }
0x19: {  	s17 =	sadd.s32 s5, s8;
	s14 =	sadd.s32 s13, s19;
	[dreg:$0x10] =	wrdreg s11  }
0x1a: {  	s18 =	sadd.s32 s8, s20;
	s3 =	sadd.s32 s13, s3;
	[dreg:$0x12] =	wrdreg s14  }
0x1b: {  	s8 =	simm.s32 $0x5;
	s20 =	simm.s32 $0x19A98;
	[dreg:$0x13] =	wrdreg s3  }
0x1c: {  	s19 =	sadd.s32 s9, s4;
	_ =	strace $0x80000047;
	[dreg:$0x14] =	wrdreg s2  }
0x1d: {  	s23 =	sadd.s32 $0x1DC00, s18;
	s24 =	sadd.s32 $0xA000, s18;
	[dreg:$0x15] =	wrdreg s17  }
0x1e: {  	s25 =	sadd.s32 $0x13E00, s18;
	s22 =	sadd.s32 s15, s6;
	[dreg:$0x16] =	wrdreg s19  }
0x1f: {  	s26 =	smax.u32 s16, $0x1;
	s28 =	sadd.s32 $0x138000, s4;
	[dreg:$0x17] =	wrdreg s22  }
0x20: {  	s29 =	sadd.s32 $0x13800, s6;
	s9 =	simm.s32 $0x14C90;
	[dreg:$0x18] =	wrdreg s23  }
0x21: {  	s10 =	simm.s32 $0x173C0;
	s12 =	simm.s32 $0x2;
	[dreg:$0x19] =	wrdreg s24  }
0x22: {  	s13 =	simm.s32 $0x3;
	s16 =	simm.s32 $0x19AF0;
	[dreg:$0x1a] =	wrdreg s25  }
0x23: {  	s11 =	simm.s32 $0x1;
	s14 =	simm.s32 $0x4;
	[dreg:$0x1c] =	wrdreg s26  }
0x24: {  	s15 =	simm.s32 $0x58;
	s2 =	sadd.s32 $0x200, s18;
	[dreg:$0x1d] =	wrdreg s28  }
0x25: {  	[dreg:$0x1e] =	wrdreg s29;
	s17 =	simm.s32 $0x14CE8;
	s18 =	simm.s32 $0x1C6F0  }
0x26: {  	s19 =	simm.s32 $0x19A40;
	[dreg:$0x1b] =	wrdreg s2;
	s2 =	simm.s32 $0x1F2F0  }
.LBB2_1:
0x27: {  	s3 =	rddreg [dreg:$0x2]  }
0x28: {  	[tilespmem:s2], [sflag:$0x5] =	stream.linear.gather [hbm4b:s3+s7], $0x2C0, $0x38;
	[tilespmem:$0x1F5B0] =	vst v63  }
0x29: {  	s25 =	stileid.u32;
	_ =	swait.ge [sflag:s8], $0x2C0  }
0x2a: {  	s3 =	sshll.u32 s25, $0x6;
	[sflag:s8] =	ssyncset.done $0x0;
	s5 =	rddreg [dreg:$0x16]  }
0x2b: {  	s22 =	sor.u32 $0x1C01, s3;
	[sflag:s8] =	ssyncadd.s32 $0xFFFFFD40;
	s23 =	sshrl.u32 s5, $0x3  }
0x2c: {  	[spmem:s23], [sflag:s22] =	dma.local [hbm:s30], $0x2700  }
0x2d: {  	s26 =	rddreg [dreg:$0x17]  }
0x2e: {  	s24 =	sor.u32 $0x1C02, s3;
	s25 =	sshrl.u32 s26, $0x3  }
0x2f: {  	[spmem:s25], [sflag:s24] =	dma.local [hbm:s31], $0x270  }
0x30: {  	s5 =	rddreg [dreg:$0x14]  }
0x31: {  	s26 =	rddreg [dreg:$0x15]  }
0x32: {  	[tilespmem:s9], [sflag:$0x3] =	stream.linear.gather [hbm4b:s5+s7], $0x2730, $0x38;
	[tilespmem:$0x1F5B0] =	vst v63  }
0x33: {  	s3 =	rddreg [dreg:$0x1d]  }
0x34: {  	[tilespmem:s10], [sflag:$0x4] =	stream.linear.gather [hbm4b:s26+s7], $0x2730, $0x38;
	[tilespmem:$0x1F5B0] =	vst v63  }
0x35: {  	s26 =	sshrl.u32 @!p0 s3, $0x3;
	s3 =	simm.s32 @!p0 $0x1  }
0x36: {  	[spmem:s26], [sflag:s22] =	dma.local @!p0 [hbm:s30], $0x100  }
0x37: {  	_ =	swait.ge @!p0 [sflag:s3], $0x100  }
0x38: {  	[sflag:s3] =	ssyncset.done @!p0 $0x0  }
0x39: {  	[sflag:s3] =	ssyncadd.s32 @!p0 $0xFFFFFF00;
	s3 =	rddreg [dreg:$0x1e]  }
0x3a: {  	s28 =	sshrl.u32 @!p0 s3, $0x3;
	s3 =	simm.s32 @!p0 $0x2  }
0x3b: {  	[spmem:s28], [sflag:s24] =	dma.local @!p0 [hbm:s31], $0x10  }
0x3c: {  	_ =	swait.ge @!p0 [sflag:s3], $0x10  }
0x3d: {  	[sflag:s3] =	ssyncset.done @!p0 $0x0  }
0x3e: {  	[sflag:s3] =	ssyncadd.s32 @!p0 $0xFFFFFFF0  }
0x3f: {  	_ =	swait.ge [sflag:s11], $0x2700  }
0x40: {  	[sflag:s11] =	ssyncset.done $0x0  }
0x41: {  	[sflag:s11] =	ssyncadd.s32 $0xFFFFD900  }
0x42: {  	_ =	swait.ge [sflag:s12], $0x270  }
0x43: {  	[sflag:s12] =	ssyncset.done $0x0  }
0x44: {  	[sflag:s12] =	ssyncadd.s32 $0xFFFFFD90  }
0x45: {  	_ =	swait.ge [sflag:s13], $0x2730  }
0x46: {  	[sflag:s13] =	ssyncset.done $0x0  }
0x47: {  	[sflag:s13] =	ssyncadd.s32 $0xFFFFD8D0  }
0x48: {  	_ =	swait.ge [sflag:s14], $0x2730  }
0x49: {  	[sflag:s14] =	ssyncset.done $0x0  }
0x4a: {  	[sflag:s14] =	ssyncadd.s32 $0xFFFFD8D0  }
0x4b: {  	[bflag:$0x0] =	sbarrier.arrive $0xFFFF  }
0x4c: {  	[tilespmem:s16], [sflag:$0x1] =	stream.indirect.gather [hbm4b:s0+s15], $0x80, s9, s15, $0xb8;
	[tilespmem:$0x1F5B0] =	vst v63  }
0x4d: {  	_ = 	snop  }
0x4e: {  	[tilespmem:s18], [sflag:$0x2] =	stream.indirect.gather [hbm4b:s0+s15], $0x80, s17, s15, $0xb8;
	[tilespmem:$0x1F5B0] =	vst v63  }
0x4f: {  	_ =	swait.ge [sflag:s11], $0x2C00  }
0x50: {  	[sflag:s11] =	ssyncset.done $0x0  }
0x51: {  	s5 =	simm.s32 $0x173C0;
	[sflag:s11] =	ssyncadd.s32 $0xFFFFD400  }
0x52: {  	[spmem:s4] =	stream.indirect.scatter.add.f32 [tilespmem:s16], [sflag:$0x3], $0x80, s5, s15, $0xb8;
	[tilespmem:$0x1F5B0] =	vst v63  }
0x53: {  	_ = 	snop  }
0x54: {  	[spmem:s6] =	stream.indirect.scatter.add.f32 [tilespmem:s2], [sflag:$0x3], $0x8, s5, s15, $0xb8;
	[tilespmem:$0x1F5B0] =	vst v63  }
0x55: {  	_ =	swait.ge [sflag:s12], $0x2C00  }
0x56: {  	[sflag:s12] =	ssyncset.done $0x0  }
0x57: {  	s5 =	simm.s32 $0x17418;
	[sflag:s12] =	ssyncadd.s32 $0xFFFFD400  }
0x58: {  	[spmem:s4] =	stream.indirect.scatter.add.f32 [tilespmem:s18], [sflag:$0x4], $0x80, s5, s15, $0xb8;
	[tilespmem:$0x1F5B0] =	vst v63  }
0x59: {  	_ = 	snop  }
0x5a: {  	[spmem:s6] =	stream.indirect.scatter.add.f32 [tilespmem:s2], [sflag:$0x4], $0x8, s5, s15, $0xb8;
	[tilespmem:$0x1F5B0] =	vst v63  }
0x5b: {  	_ =	swait.ge [sflag:s13], $0x2C00  }
0x5c: {  	[sflag:s13] =	ssyncset.done $0x0  }
0x5d: {  	[sflag:s13] =	ssyncadd.s32 $0xFFFFD400  }
0x5e: {  	_ =	swait.ge [sflag:s13], $0x2C0  }
0x5f: {  	[sflag:s13] =	ssyncset.done $0x0  }
0x60: {  	s5 =	simm.s32 $0x14D40;
	[sflag:s13] =	ssyncadd.s32 $0xFFFFFD40  }
0x61: {  	[tilespmem:s16], [sflag:$0x1] =	stream.indirect.gather [hbm4b:s0+s15], $0x80, s5, s15, $0xb8;
	[tilespmem:$0x1F5B0] =	vst v63  }
0x62: {  	_ =	swait.ge [sflag:s14], $0x2C00  }
0x63: {  	[sflag:s14] =	ssyncset.done $0x0  }
0x64: {  	[sflag:s14] =	ssyncadd.s32 $0xFFFFD400  }
0x65: {  	_ =	swait.ge [sflag:s14], $0x2C0  }
0x66: {  	[sflag:s14] =	ssyncset.done $0x0  }
0x67: {  	s29 =	simm.s32 $0x2C0;
	s3 =	simm.s32 $0x14D98;
	[sflag:s14] =	ssyncadd.s32 $0xFFFFFD40  }
.LBB2_2:
0x68: {  	[tilespmem:s18], [sflag:$0x2] =	stream.indirect.gather [hbm4b:s0+s15], $0x80, s3, s15, $0xb8;
	[tilespmem:$0x1F5B0] =	vst v63  }
0x69: {  	s3 =	smov.u32 s29  }
0x6a: {  	p1 =	sne.s32 s29, $0x9740;
	s29 =	sadd.s32 $0x2C0, s29;
	_ =	swait.ge [sflag:s11], $0x2C00  }
0x6b: {  	s3 =	sshra.s32 s3, $0x2;
	[sflag:s11] =	ssyncset.done $0x0  }
0x6c: {  	s5 =	sadd.s32 $0x173C0, s3;
	[sflag:s11] =	ssyncadd.s32 $0xFFFFD400  }
0x6d: {  	[spmem:s4] =	stream.indirect.scatter.add.f32 [tilespmem:s16], [sflag:$0x3], $0x80, s5, s15, $0xb8;
	[tilespmem:$0x1F5B0] =	vst v63  }
0x6e: {  	_ = 	snop  }
0x6f: {  	[spmem:s6] =	stream.indirect.scatter.add.f32 [tilespmem:s2], [sflag:$0x3], $0x8, s5, s15, $0xb8;
	[tilespmem:$0x1F5B0] =	vst v63  }
0x70: {  	_ =	swait.ge [sflag:s12], $0x2C00  }
0x71: {  	[sflag:s12] =	ssyncset.done $0x0  }
0x72: {  	s5 =	sadd.s32 $0x17418, s3;
	[sflag:s12] =	ssyncadd.s32 $0xFFFFD400  }
0x73: {  	[spmem:s4] =	stream.indirect.scatter.add.f32 [tilespmem:s18], [sflag:$0x4], $0x80, s5, s15, $0xb8;
	[tilespmem:$0x1F5B0] =	vst v63  }
0x74: {  	_ = 	snop  }
0x75: {  	[spmem:s6] =	stream.indirect.scatter.add.f32 [tilespmem:s2], [sflag:$0x4], $0x8, s5, s15, $0xb8;
	[tilespmem:$0x1F5B0] =	vst v63  }
0x76: {  	_ =	swait.ge [sflag:s13], $0x2C00  }
0x77: {  	[sflag:s13] =	ssyncset.done $0x0  }
0x78: {  	[sflag:s13] =	ssyncadd.s32 $0xFFFFD400  }
0x79: {  	_ =	swait.ge [sflag:s13], $0x2C0  }
0x7a: {  	[sflag:s13] =	ssyncset.done $0x0  }
0x7b: {  	s5 =	sadd.s32 $0x14D40, s3;
	[sflag:s13] =	ssyncadd.s32 $0xFFFFFD40  }
0x7c: {  	[tilespmem:s16], [sflag:$0x1] =	stream.indirect.gather [hbm4b:s0+s15], $0x80, s5, s15, $0xb8;
	[tilespmem:$0x1F5B0] =	vst v63  }
0x7d: {  	_ =	swait.ge [sflag:s14], $0x2C00  }
.Ltmp0:
0x7e: {  	[sflag:s14] =	ssyncset.done $0x0;
	(pc) =	sbr.rel @p1 .LBB2_2-.Ltmp0, $4  }
0x7f: {  	[sflag:s14] =	ssyncadd.s32 $0xFFFFD400  }
0x80: {  	_ =	swait.ge [sflag:s14], $0x2C0  }
0x81: {  	[sflag:s14] =	ssyncset.done $0x0  }
0x82: {  	s3 =	sadd.s32 $0x14D98, s3;
	[sflag:s14] =	ssyncadd.s32 $0xFFFFFD40  }
0x83: {  	[tilespmem:s18], [sflag:$0x2] =	stream.indirect.gather [hbm4b:s0+s15], $0x80, s3, s15, $0xb8;
	[tilespmem:$0x1F5B0] =	vst v63  }
0x84: {  	_ =	swait.ge [sflag:s11], $0x2C00  }
0x85: {  	[sflag:s11] =	ssyncset.done $0x0  }
0x86: {  	[sflag:s11] =	ssyncadd.s32 $0xFFFFD400  }
0x87: {  	[spmem:s4] =	stream.indirect.scatter.add.f32 [tilespmem:s16], [sflag:$0x3], $0x80, s19, s15, $0xb8;
	[tilespmem:$0x1F5B0] =	vst v63  }
0x88: {  	_ = 	snop  }
0x89: {  	[spmem:s6] =	stream.indirect.scatter.add.f32 [tilespmem:s2], [sflag:$0x3], $0x8, s19, s15, $0xb8;
	[tilespmem:$0x1F5B0] =	vst v63  }
0x8a: {  	_ =	swait.ge [sflag:s12], $0x2C00  }
0x8b: {  	[sflag:s12] =	ssyncset.done $0x0  }
0x8c: {  	[sflag:s12] =	ssyncadd.s32 $0xFFFFD400  }
0x8d: {  	[spmem:s4] =	stream.indirect.scatter.add.f32 [tilespmem:s18], [sflag:$0x4], $0x80, s20, s15, $0xb8;
	[tilespmem:$0x1F5B0] =	vst v63  }
0x8e: {  	_ = 	snop  }
0x8f: {  	[spmem:s6] =	stream.indirect.scatter.add.f32 [tilespmem:s2], [sflag:$0x4], $0x8, s20, s15, $0xb8;
	[tilespmem:$0x1F5B0] =	vst v63  }
0x90: {  	_ =	swait.ge [sflag:s13], $0x2C00  }
0x91: {  	[sflag:s13] =	ssyncset.done $0x0  }
0x92: {  	[sflag:s13] =	ssyncadd.s32 $0xFFFFD400  }
0x93: {  	_ =	swait.ge [sflag:s13], $0x2C0  }
0x94: {  	[sflag:s13] =	ssyncset.done $0x0  }
0x95: {  	[sflag:s13] =	ssyncadd.s32 $0xFFFFFD40  }
0x96: {  	_ =	swait.ge [sflag:s14], $0x2C00  }
0x97: {  	[sflag:s14] =	ssyncset.done $0x0  }
0x98: {  	[sflag:s14] =	ssyncadd.s32 $0xFFFFD400  }
0x99: {  	_ =	swait.ge [sflag:s14], $0x2C0  }
0x9a: {  	[sflag:s14] =	ssyncset.done $0x0  }
0x9b: {  	[sflag:s14] =	ssyncadd.s32 $0xFFFFFD40  }
0x9c: {  	[bflag:$0x0] =	sbarrier.arrive $0xFFFF  }
0x9d: {  	s5 =	rddreg [dreg:$0x8]  }
0x9e: {  	[hbm:s5], [sflag:s22] =	dma.local [spmem:s23], $0x2700  }
0x9f: {  	s3 =	rddreg [dreg:$0x9]  }
0xa0: {  	[hbm:s3], [sflag:s24] =	dma.local [spmem:s25], $0x270  }
0xa1: {  	s3 =	simm.s32 @!p0 $0x1C03;
	s5 =	rddreg [dreg:$0xa]  }
0xa2: {  	[hbm:s5], [sflag:s3] =	dma.local @!p0 [spmem:s26], $0x100  }
0xa3: {  	s3 =	simm.s32 @!p0 $0x3  }
0xa4: {  	_ =	swait.ge @!p0 [sflag:s3], $0x100  }
0xa5: {  	[sflag:s3] =	ssyncset.done @!p0 $0x0  }
0xa6: {  	s5 =	rddreg [dreg:$0xb];
	[sflag:s3] =	ssyncadd.s32 @!p0 $0xFFFFFF00;
	s3 =	simm.s32 @!p0 $0x1C04  }
0xa7: {  	[hbm:s5], [sflag:s3] =	dma.local @!p0 [spmem:s28], $0x10  }
0xa8: {  	s3 =	simm.s32 @!p0 $0x4  }
0xa9: {  	_ =	swait.ge @!p0 [sflag:s3], $0x10  }
0xaa: {  	[sflag:s3] =	ssyncset.done @!p0 $0x0  }
0xab: {  	[sflag:s3] =	ssyncadd.s32 @!p0 $0xFFFFFFF0  }
0xac: {  	_ =	swait.ge [sflag:s11], $0x2700  }
0xad: {  	[sflag:s11] =	ssyncset.done $0x0  }
0xae: {  	[sflag:s11] =	ssyncadd.s32 $0xFFFFD900  }
0xaf: {  	_ =	swait.ge [sflag:s12], $0x270  }
0xb0: {  	[sflag:s12] =	ssyncset.done $0x0  }
0xb1: {  	[sflag:s12] =	ssyncadd.s32 $0xFFFFFD90  }
0xb2: {  	[bflag:$0x0] =	sbarrier.arrive $0xFFFF  }
0xb3: {  	[spmem:s23], [sflag:s22] =	dma.local [hbm:s30], $0x2700  }
0xb4: {  	[spmem:s25], [sflag:s24] =	dma.local [hbm:s31], $0x270  }
0xb5: {  	s5 =	rddreg [dreg:$0x18]  }
0xb6: {  	[tilespmem:s9], [sflag:$0x3] =	stream.linear.gather [hbm4b:s5+s7], $0x2730, $0x38;
	[tilespmem:$0x1F5B0] =	vst v63  }
0xb7: {  	s3 =	simm.s32 @!p0 $0x1;
	s5 =	rddreg [dreg:$0x19]  }
0xb8: {  	[tilespmem:s10], [sflag:$0x4] =	stream.linear.gather [hbm4b:s5+s7], $0x2730, $0x38;
	[tilespmem:$0x1F5B0] =	vst v63  }
0xb9: {  	[spmem:s26], [sflag:s22] =	dma.local @!p0 [hbm:s30], $0x100  }
0xba: {  	_ =	swait.ge @!p0 [sflag:s3], $0x100  }
0xbb: {  	[sflag:s3] =	ssyncset.done @!p0 $0x0  }
0xbc: {  	[sflag:s3] =	ssyncadd.s32 @!p0 $0xFFFFFF00;
	s3 =	simm.s32 @!p0 $0x2  }
0xbd: {  	[spmem:s28], [sflag:s24] =	dma.local @!p0 [hbm:s31], $0x10  }
0xbe: {  	_ =	swait.ge @!p0 [sflag:s3], $0x10  }
0xbf: {  	[sflag:s3] =	ssyncset.done @!p0 $0x0  }
0xc0: {  	[sflag:s3] =	ssyncadd.s32 @!p0 $0xFFFFFFF0  }
0xc1: {  	_ =	swait.ge [sflag:s11], $0x2700  }
0xc2: {  	[sflag:s11] =	ssyncset.done $0x0  }
0xc3: {  	[sflag:s11] =	ssyncadd.s32 $0xFFFFD900  }
0xc4: {  	_ =	swait.ge [sflag:s12], $0x270  }
0xc5: {  	[sflag:s12] =	ssyncset.done $0x0  }
0xc6: {  	[sflag:s12] =	ssyncadd.s32 $0xFFFFFD90  }
0xc7: {  	_ =	swait.ge [sflag:s13], $0x2730  }
0xc8: {  	[sflag:s13] =	ssyncset.done $0x0  }
0xc9: {  	[sflag:s13] =	ssyncadd.s32 $0xFFFFD8D0  }
0xca: {  	_ =	swait.ge [sflag:s14], $0x2730  }
0xcb: {  	[sflag:s14] =	ssyncset.done $0x0  }
0xcc: {  	[sflag:s14] =	ssyncadd.s32 $0xFFFFD8D0  }
0xcd: {  	[bflag:$0x0] =	sbarrier.arrive $0xFFFF  }
0xce: {  	[tilespmem:s16], [sflag:$0x1] =	stream.indirect.gather [hbm4b:s0+s15], $0x80, s9, s15, $0xb8;
	[tilespmem:$0x1F5B0] =	vst v63  }
0xcf: {  	_ = 	snop  }
0xd0: {  	[tilespmem:s18], [sflag:$0x2] =	stream.indirect.gather [hbm4b:s0+s15], $0x80, s17, s15, $0xb8;
	[tilespmem:$0x1F5B0] =	vst v63  }
0xd1: {  	_ =	swait.ge [sflag:s11], $0x2C00  }
0xd2: {  	[sflag:s11] =	ssyncset.done $0x0  }
0xd3: {  	s5 =	simm.s32 $0x173C0;
	[sflag:s11] =	ssyncadd.s32 $0xFFFFD400  }
0xd4: {  	[spmem:s4] =	stream.indirect.scatter.add.f32 [tilespmem:s16], [sflag:$0x3], $0x80, s5, s15, $0xb8;
	[tilespmem:$0x1F5B0] =	vst v63  }
0xd5: {  	_ = 	snop  }
0xd6: {  	[spmem:s6] =	stream.indirect.scatter.add.f32 [tilespmem:s2], [sflag:$0x3], $0x8, s5, s15, $0xb8;
	[tilespmem:$0x1F5B0] =	vst v63  }
0xd7: {  	_ =	swait.ge [sflag:s12], $0x2C00  }
0xd8: {  	[sflag:s12] =	ssyncset.done $0x0  }
0xd9: {  	s5 =	simm.s32 $0x17418;
	[sflag:s12] =	ssyncadd.s32 $0xFFFFD400  }
0xda: {  	[spmem:s4] =	stream.indirect.scatter.add.f32 [tilespmem:s18], [sflag:$0x4], $0x80, s5, s15, $0xb8;
	[tilespmem:$0x1F5B0] =	vst v63  }
0xdb: {  	_ = 	snop  }
0xdc: {  	[spmem:s6] =	stream.indirect.scatter.add.f32 [tilespmem:s2], [sflag:$0x4], $0x8, s5, s15, $0xb8;
	[tilespmem:$0x1F5B0] =	vst v63  }
0xdd: {  	_ =	swait.ge [sflag:s13], $0x2C00  }
0xde: {  	[sflag:s13] =	ssyncset.done $0x0  }
0xdf: {  	[sflag:s13] =	ssyncadd.s32 $0xFFFFD400  }
0xe0: {  	_ =	swait.ge [sflag:s13], $0x2C0  }
0xe1: {  	[sflag:s13] =	ssyncset.done $0x0  }
0xe2: {  	s5 =	simm.s32 $0x14D40;
	[sflag:s13] =	ssyncadd.s32 $0xFFFFFD40  }
0xe3: {  	[tilespmem:s16], [sflag:$0x1] =	stream.indirect.gather [hbm4b:s0+s15], $0x80, s5, s15, $0xb8;
	[tilespmem:$0x1F5B0] =	vst v63  }
0xe4: {  	_ =	swait.ge [sflag:s14], $0x2C00  }
0xe5: {  	[sflag:s14] =	ssyncset.done $0x0  }
0xe6: {  	[sflag:s14] =	ssyncadd.s32 $0xFFFFD400  }
0xe7: {  	_ =	swait.ge [sflag:s14], $0x2C0  }
0xe8: {  	[sflag:s14] =	ssyncset.done $0x0  }
0xe9: {  	s29 =	simm.s32 $0x2C0;
	s3 =	simm.s32 $0x14D98;
	[sflag:s14] =	ssyncadd.s32 $0xFFFFFD40  }
.LBB2_4:
0xea: {  	[tilespmem:s18], [sflag:$0x2] =	stream.indirect.gather [hbm4b:s0+s15], $0x80, s3, s15, $0xb8;
	[tilespmem:$0x1F5B0] =	vst v63  }
0xeb: {  	s3 =	smov.u32 s29  }
0xec: {  	p1 =	sne.s32 s29, $0x9740;
	s29 =	sadd.s32 $0x2C0, s29;
	_ =	swait.ge [sflag:s11], $0x2C00  }
0xed: {  	s3 =	sshra.s32 s3, $0x2;
	[sflag:s11] =	ssyncset.done $0x0  }
0xee: {  	s5 =	sadd.s32 $0x173C0, s3;
	[sflag:s11] =	ssyncadd.s32 $0xFFFFD400  }
0xef: {  	[spmem:s4] =	stream.indirect.scatter.add.f32 [tilespmem:s16], [sflag:$0x3], $0x80, s5, s15, $0xb8;
	[tilespmem:$0x1F5B0] =	vst v63  }
0xf0: {  	_ = 	snop  }
0xf1: {  	[spmem:s6] =	stream.indirect.scatter.add.f32 [tilespmem:s2], [sflag:$0x3], $0x8, s5, s15, $0xb8;
	[tilespmem:$0x1F5B0] =	vst v63  }
0xf2: {  	_ =	swait.ge [sflag:s12], $0x2C00  }
0xf3: {  	[sflag:s12] =	ssyncset.done $0x0  }
0xf4: {  	s5 =	sadd.s32 $0x17418, s3;
	[sflag:s12] =	ssyncadd.s32 $0xFFFFD400  }
0xf5: {  	[spmem:s4] =	stream.indirect.scatter.add.f32 [tilespmem:s18], [sflag:$0x4], $0x80, s5, s15, $0xb8;
	[tilespmem:$0x1F5B0] =	vst v63  }
0xf6: {  	_ = 	snop  }
0xf7: {  	[spmem:s6] =	stream.indirect.scatter.add.f32 [tilespmem:s2], [sflag:$0x4], $0x8, s5, s15, $0xb8;
	[tilespmem:$0x1F5B0] =	vst v63  }
0xf8: {  	_ =	swait.ge [sflag:s13], $0x2C00  }
0xf9: {  	[sflag:s13] =	ssyncset.done $0x0  }
0xfa: {  	[sflag:s13] =	ssyncadd.s32 $0xFFFFD400  }
0xfb: {  	_ =	swait.ge [sflag:s13], $0x2C0  }
0xfc: {  	[sflag:s13] =	ssyncset.done $0x0  }
0xfd: {  	s5 =	sadd.s32 $0x14D40, s3;
	[sflag:s13] =	ssyncadd.s32 $0xFFFFFD40  }
0xfe: {  	[tilespmem:s16], [sflag:$0x1] =	stream.indirect.gather [hbm4b:s0+s15], $0x80, s5, s15, $0xb8;
	[tilespmem:$0x1F5B0] =	vst v63  }
0xff: {  	_ =	swait.ge [sflag:s14], $0x2C00  }
.Ltmp1:
0x100: {  	[sflag:s14] =	ssyncset.done $0x0;
	(pc) =	sbr.rel @p1 .LBB2_4-.Ltmp1, $4  }
0x101: {  	[sflag:s14] =	ssyncadd.s32 $0xFFFFD400  }
0x102: {  	_ =	swait.ge [sflag:s14], $0x2C0  }
0x103: {  	[sflag:s14] =	ssyncset.done $0x0  }
0x104: {  	s3 =	sadd.s32 $0x14D98, s3;
	[sflag:s14] =	ssyncadd.s32 $0xFFFFFD40  }
0x105: {  	[tilespmem:s18], [sflag:$0x2] =	stream.indirect.gather [hbm4b:s0+s15], $0x80, s3, s15, $0xb8;
	[tilespmem:$0x1F5B0] =	vst v63  }
0x106: {  	_ =	swait.ge [sflag:s11], $0x2C00  }
0x107: {  	[sflag:s11] =	ssyncset.done $0x0  }
0x108: {  	[sflag:s11] =	ssyncadd.s32 $0xFFFFD400  }
0x109: {  	[spmem:s4] =	stream.indirect.scatter.add.f32 [tilespmem:s16], [sflag:$0x3], $0x80, s19, s15, $0xb8;
	[tilespmem:$0x1F5B0] =	vst v63  }
0x10a: {  	_ = 	snop  }
0x10b: {  	[spmem:s6] =	stream.indirect.scatter.add.f32 [tilespmem:s2], [sflag:$0x3], $0x8, s19, s15, $0xb8;
	[tilespmem:$0x1F5B0] =	vst v63  }
0x10c: {  	_ =	swait.ge [sflag:s12], $0x2C00  }
0x10d: {  	[sflag:s12] =	ssyncset.done $0x0  }
0x10e: {  	[sflag:s12] =	ssyncadd.s32 $0xFFFFD400  }
0x10f: {  	[spmem:s4] =	stream.indirect.scatter.add.f32 [tilespmem:s18], [sflag:$0x4], $0x80, s20, s15, $0xb8;
	[tilespmem:$0x1F5B0] =	vst v63  }
0x110: {  	_ = 	snop  }
0x111: {  	[spmem:s6] =	stream.indirect.scatter.add.f32 [tilespmem:s2], [sflag:$0x4], $0x8, s20, s15, $0xb8;
	[tilespmem:$0x1F5B0] =	vst v63  }
0x112: {  	_ =	swait.ge [sflag:s13], $0x2C00  }
0x113: {  	[sflag:s13] =	ssyncset.done $0x0  }
0x114: {  	[sflag:s13] =	ssyncadd.s32 $0xFFFFD400  }
0x115: {  	_ =	swait.ge [sflag:s13], $0x2C0  }
0x116: {  	[sflag:s13] =	ssyncset.done $0x0  }
0x117: {  	[sflag:s13] =	ssyncadd.s32 $0xFFFFFD40  }
0x118: {  	_ =	swait.ge [sflag:s14], $0x2C00  }
0x119: {  	[sflag:s14] =	ssyncset.done $0x0  }
0x11a: {  	[sflag:s14] =	ssyncadd.s32 $0xFFFFD400  }
0x11b: {  	_ =	swait.ge [sflag:s14], $0x2C0  }
0x11c: {  	[sflag:s14] =	ssyncset.done $0x0  }
0x11d: {  	[sflag:s14] =	ssyncadd.s32 $0xFFFFFD40  }
0x11e: {  	[bflag:$0x0] =	sbarrier.arrive $0xFFFF  }
0x11f: {  	s5 =	rddreg [dreg:$0xc]  }
0x120: {  	[hbm:s5], [sflag:s22] =	dma.local [spmem:s23], $0x2700  }
0x121: {  	s3 =	rddreg [dreg:$0x10]  }
0x122: {  	[hbm:s3], [sflag:s24] =	dma.local [spmem:s25], $0x270  }
0x123: {  	s3 =	simm.s32 @!p0 $0x1C03;
	s5 =	rddreg [dreg:$0xd]  }
0x124: {  	[hbm:s5], [sflag:s3] =	dma.local @!p0 [spmem:s26], $0x100  }
0x125: {  	s3 =	simm.s32 @!p0 $0x3  }
0x126: {  	_ =	swait.ge @!p0 [sflag:s3], $0x100  }
0x127: {  	[sflag:s3] =	ssyncset.done @!p0 $0x0  }
0x128: {  	s5 =	rddreg [dreg:$0x11];
	[sflag:s3] =	ssyncadd.s32 @!p0 $0xFFFFFF00;
	s3 =	simm.s32 @!p0 $0x1C04  }
0x129: {  	[hbm:s5], [sflag:s3] =	dma.local @!p0 [spmem:s28], $0x10  }
0x12a: {  	s3 =	simm.s32 @!p0 $0x4  }
0x12b: {  	_ =	swait.ge @!p0 [sflag:s3], $0x10  }
0x12c: {  	[sflag:s3] =	ssyncset.done @!p0 $0x0  }
0x12d: {  	[sflag:s3] =	ssyncadd.s32 @!p0 $0xFFFFFFF0  }
0x12e: {  	_ =	swait.ge [sflag:s11], $0x2700  }
0x12f: {  	[sflag:s11] =	ssyncset.done $0x0  }
0x130: {  	[sflag:s11] =	ssyncadd.s32 $0xFFFFD900  }
0x131: {  	_ =	swait.ge [sflag:s12], $0x270  }
0x132: {  	[sflag:s12] =	ssyncset.done $0x0  }
0x133: {  	[sflag:s12] =	ssyncadd.s32 $0xFFFFFD90  }
0x134: {  	[bflag:$0x0] =	sbarrier.arrive $0xFFFF  }
0x135: {  	[spmem:s23], [sflag:s22] =	dma.local [hbm:s30], $0x2700  }
0x136: {  	[spmem:s25], [sflag:s24] =	dma.local [hbm:s31], $0x270  }
0x137: {  	s5 =	rddreg [dreg:$0x1a]  }
0x138: {  	[tilespmem:s9], [sflag:$0x3] =	stream.linear.gather [hbm4b:s5+s7], $0x2730, $0x38;
	[tilespmem:$0x1F5B0] =	vst v63  }
0x139: {  	s3 =	simm.s32 @!p0 $0x1;
	s5 =	rddreg [dreg:$0x1b]  }
0x13a: {  	[tilespmem:s10], [sflag:$0x4] =	stream.linear.gather [hbm4b:s5+s7], $0x2730, $0x38;
	[tilespmem:$0x1F5B0] =	vst v63  }
0x13b: {  	[spmem:s26], [sflag:s22] =	dma.local @!p0 [hbm:s30], $0x100  }
0x13c: {  	_ =	swait.ge @!p0 [sflag:s3], $0x100  }
0x13d: {  	[sflag:s3] =	ssyncset.done @!p0 $0x0  }
0x13e: {  	[sflag:s3] =	ssyncadd.s32 @!p0 $0xFFFFFF00;
	s3 =	simm.s32 @!p0 $0x2  }
0x13f: {  	[spmem:s28], [sflag:s24] =	dma.local @!p0 [hbm:s31], $0x10  }
0x140: {  	_ =	swait.ge @!p0 [sflag:s3], $0x10  }
0x141: {  	[sflag:s3] =	ssyncset.done @!p0 $0x0  }
0x142: {  	[sflag:s3] =	ssyncadd.s32 @!p0 $0xFFFFFFF0  }
0x143: {  	_ =	swait.ge [sflag:s11], $0x2700  }
0x144: {  	[sflag:s11] =	ssyncset.done $0x0  }
0x145: {  	[sflag:s11] =	ssyncadd.s32 $0xFFFFD900  }
0x146: {  	_ =	swait.ge [sflag:s12], $0x270  }
0x147: {  	[sflag:s12] =	ssyncset.done $0x0  }
0x148: {  	[sflag:s12] =	ssyncadd.s32 $0xFFFFFD90  }
0x149: {  	_ =	swait.ge [sflag:s13], $0x2730  }
0x14a: {  	[sflag:s13] =	ssyncset.done $0x0  }
0x14b: {  	[sflag:s13] =	ssyncadd.s32 $0xFFFFD8D0  }
0x14c: {  	_ =	swait.ge [sflag:s14], $0x2730  }
0x14d: {  	[sflag:s14] =	ssyncset.done $0x0  }
0x14e: {  	[sflag:s14] =	ssyncadd.s32 $0xFFFFD8D0  }
0x14f: {  	[bflag:$0x0] =	sbarrier.arrive $0xFFFF  }
0x150: {  	[tilespmem:s16], [sflag:$0x1] =	stream.indirect.gather [hbm4b:s1+s15], $0x80, s9, s15, $0xb8;
	[tilespmem:$0x1F5B0] =	vst v63  }
0x151: {  	_ = 	snop  }
0x152: {  	[tilespmem:s18], [sflag:$0x2] =	stream.indirect.gather [hbm4b:s1+s15], $0x80, s17, s15, $0xb8;
	[tilespmem:$0x1F5B0] =	vst v63  }
0x153: {  	_ =	swait.ge [sflag:s11], $0x2C00  }
0x154: {  	[sflag:s11] =	ssyncset.done $0x0  }
0x155: {  	s5 =	simm.s32 $0x173C0;
	[sflag:s11] =	ssyncadd.s32 $0xFFFFD400  }
0x156: {  	[spmem:s4] =	stream.indirect.scatter.add.f32 [tilespmem:s16], [sflag:$0x3], $0x80, s5, s15, $0xb8;
	[tilespmem:$0x1F5B0] =	vst v63  }
0x157: {  	_ = 	snop  }
0x158: {  	[spmem:s6] =	stream.indirect.scatter.add.f32 [tilespmem:s2], [sflag:$0x3], $0x8, s5, s15, $0xb8;
	[tilespmem:$0x1F5B0] =	vst v63  }
0x159: {  	_ =	swait.ge [sflag:s12], $0x2C00  }
0x15a: {  	[sflag:s12] =	ssyncset.done $0x0  }
0x15b: {  	s5 =	simm.s32 $0x17418;
	[sflag:s12] =	ssyncadd.s32 $0xFFFFD400  }
0x15c: {  	[spmem:s4] =	stream.indirect.scatter.add.f32 [tilespmem:s18], [sflag:$0x4], $0x80, s5, s15, $0xb8;
	[tilespmem:$0x1F5B0] =	vst v63  }
0x15d: {  	_ = 	snop  }
0x15e: {  	[spmem:s6] =	stream.indirect.scatter.add.f32 [tilespmem:s2], [sflag:$0x4], $0x8, s5, s15, $0xb8;
	[tilespmem:$0x1F5B0] =	vst v63  }
0x15f: {  	_ =	swait.ge [sflag:s13], $0x2C00  }
0x160: {  	[sflag:s13] =	ssyncset.done $0x0  }
0x161: {  	[sflag:s13] =	ssyncadd.s32 $0xFFFFD400  }
0x162: {  	_ =	swait.ge [sflag:s13], $0x2C0  }
0x163: {  	[sflag:s13] =	ssyncset.done $0x0  }
0x164: {  	s5 =	simm.s32 $0x14D40;
	[sflag:s13] =	ssyncadd.s32 $0xFFFFFD40  }
0x165: {  	[tilespmem:s16], [sflag:$0x1] =	stream.indirect.gather [hbm4b:s1+s15], $0x80, s5, s15, $0xb8;
	[tilespmem:$0x1F5B0] =	vst v63  }
0x166: {  	_ =	swait.ge [sflag:s14], $0x2C00  }
0x167: {  	[sflag:s14] =	ssyncset.done $0x0  }
0x168: {  	[sflag:s14] =	ssyncadd.s32 $0xFFFFD400  }
0x169: {  	_ =	swait.ge [sflag:s14], $0x2C0  }
0x16a: {  	[sflag:s14] =	ssyncset.done $0x0  }
0x16b: {  	s29 =	simm.s32 $0x2C0;
	s3 =	simm.s32 $0x14D98;
	[sflag:s14] =	ssyncadd.s32 $0xFFFFFD40  }
.LBB2_6:
0x16c: {  	[tilespmem:s18], [sflag:$0x2] =	stream.indirect.gather [hbm4b:s1+s15], $0x80, s3, s15, $0xb8;
	[tilespmem:$0x1F5B0] =	vst v63  }
0x16d: {  	s3 =	smov.u32 s29  }
0x16e: {  	p1 =	sne.s32 s29, $0x9740;
	s29 =	sadd.s32 $0x2C0, s29;
	_ =	swait.ge [sflag:s11], $0x2C00  }
0x16f: {  	s3 =	sshra.s32 s3, $0x2;
	[sflag:s11] =	ssyncset.done $0x0  }
0x170: {  	s5 =	sadd.s32 $0x173C0, s3;
	[sflag:s11] =	ssyncadd.s32 $0xFFFFD400  }
0x171: {  	[spmem:s4] =	stream.indirect.scatter.add.f32 [tilespmem:s16], [sflag:$0x3], $0x80, s5, s15, $0xb8;
	[tilespmem:$0x1F5B0] =	vst v63  }
0x172: {  	_ = 	snop  }
0x173: {  	[spmem:s6] =	stream.indirect.scatter.add.f32 [tilespmem:s2], [sflag:$0x3], $0x8, s5, s15, $0xb8;
	[tilespmem:$0x1F5B0] =	vst v63  }
0x174: {  	_ =	swait.ge [sflag:s12], $0x2C00  }
0x175: {  	[sflag:s12] =	ssyncset.done $0x0  }
0x176: {  	s5 =	sadd.s32 $0x17418, s3;
	[sflag:s12] =	ssyncadd.s32 $0xFFFFD400  }
0x177: {  	[spmem:s4] =	stream.indirect.scatter.add.f32 [tilespmem:s18], [sflag:$0x4], $0x80, s5, s15, $0xb8;
	[tilespmem:$0x1F5B0] =	vst v63  }
0x178: {  	_ = 	snop  }
0x179: {  	[spmem:s6] =	stream.indirect.scatter.add.f32 [tilespmem:s2], [sflag:$0x4], $0x8, s5, s15, $0xb8;
	[tilespmem:$0x1F5B0] =	vst v63  }
0x17a: {  	_ =	swait.ge [sflag:s13], $0x2C00  }
0x17b: {  	[sflag:s13] =	ssyncset.done $0x0  }
0x17c: {  	[sflag:s13] =	ssyncadd.s32 $0xFFFFD400  }
0x17d: {  	_ =	swait.ge [sflag:s13], $0x2C0  }
0x17e: {  	[sflag:s13] =	ssyncset.done $0x0  }
0x17f: {  	s5 =	sadd.s32 $0x14D40, s3;
	[sflag:s13] =	ssyncadd.s32 $0xFFFFFD40  }
0x180: {  	[tilespmem:s16], [sflag:$0x1] =	stream.indirect.gather [hbm4b:s1+s15], $0x80, s5, s15, $0xb8;
	[tilespmem:$0x1F5B0] =	vst v63  }
0x181: {  	_ =	swait.ge [sflag:s14], $0x2C00  }
.Ltmp2:
0x182: {  	[sflag:s14] =	ssyncset.done $0x0;
	(pc) =	sbr.rel @p1 .LBB2_6-.Ltmp2, $4  }
0x183: {  	[sflag:s14] =	ssyncadd.s32 $0xFFFFD400  }
0x184: {  	_ =	swait.ge [sflag:s14], $0x2C0  }
0x185: {  	[sflag:s14] =	ssyncset.done $0x0  }
0x186: {  	s3 =	sadd.s32 $0x14D98, s3;
	[sflag:s14] =	ssyncadd.s32 $0xFFFFFD40  }
0x187: {  	[tilespmem:s18], [sflag:$0x2] =	stream.indirect.gather [hbm4b:s1+s15], $0x80, s3, s15, $0xb8;
	[tilespmem:$0x1F5B0] =	vst v63  }
0x188: {  	_ =	swait.ge [sflag:s11], $0x2C00  }
0x189: {  	[sflag:s11] =	ssyncset.done $0x0  }
0x18a: {  	[sflag:s11] =	ssyncadd.s32 $0xFFFFD400  }
0x18b: {  	[spmem:s4] =	stream.indirect.scatter.add.f32 [tilespmem:s16], [sflag:$0x3], $0x80, s19, s15, $0xb8;
	[tilespmem:$0x1F5B0] =	vst v63  }
0x18c: {  	_ = 	snop  }
0x18d: {  	[spmem:s6] =	stream.indirect.scatter.add.f32 [tilespmem:s2], [sflag:$0x3], $0x8, s19, s15, $0xb8;
	[tilespmem:$0x1F5B0] =	vst v63  }
0x18e: {  	_ =	swait.ge [sflag:s12], $0x2C00  }
0x18f: {  	[sflag:s12] =	ssyncset.done $0x0  }
0x190: {  	[sflag:s12] =	ssyncadd.s32 $0xFFFFD400  }
0x191: {  	[spmem:s4] =	stream.indirect.scatter.add.f32 [tilespmem:s18], [sflag:$0x4], $0x80, s20, s15, $0xb8;
	[tilespmem:$0x1F5B0] =	vst v63  }
0x192: {  	_ = 	snop  }
0x193: {  	[spmem:s6] =	stream.indirect.scatter.add.f32 [tilespmem:s2], [sflag:$0x4], $0x8, s20, s15, $0xb8;
	[tilespmem:$0x1F5B0] =	vst v63  }
0x194: {  	_ =	swait.ge [sflag:s13], $0x2C00  }
0x195: {  	[sflag:s13] =	ssyncset.done $0x0  }
0x196: {  	[sflag:s13] =	ssyncadd.s32 $0xFFFFD400  }
0x197: {  	_ =	swait.ge [sflag:s13], $0x2C0  }
0x198: {  	[sflag:s13] =	ssyncset.done $0x0  }
0x199: {  	[sflag:s13] =	ssyncadd.s32 $0xFFFFFD40  }
0x19a: {  	_ =	swait.ge [sflag:s14], $0x2C00  }
0x19b: {  	[sflag:s14] =	ssyncset.done $0x0  }
0x19c: {  	[sflag:s14] =	ssyncadd.s32 $0xFFFFD400  }
0x19d: {  	_ =	swait.ge [sflag:s14], $0x2C0  }
0x19e: {  	[sflag:s14] =	ssyncset.done $0x0  }
0x19f: {  	[sflag:s14] =	ssyncadd.s32 $0xFFFFFD40  }
0x1a0: {  	[bflag:$0x0] =	sbarrier.arrive $0xFFFF  }
0x1a1: {  	s5 =	rddreg [dreg:$0xe]  }
0x1a2: {  	[hbm:s5], [sflag:s22] =	dma.local [spmem:s23], $0x2700  }
0x1a3: {  	s3 =	rddreg [dreg:$0x12]  }
0x1a4: {  	[hbm:s3], [sflag:s24] =	dma.local [spmem:s25], $0x270  }
0x1a5: {  	s3 =	simm.s32 @!p0 $0x1C03;
	s5 =	rddreg [dreg:$0xf]  }
0x1a6: {  	[hbm:s5], [sflag:s3] =	dma.local @!p0 [spmem:s26], $0x100  }
0x1a7: {  	s3 =	simm.s32 @!p0 $0x3  }
0x1a8: {  	_ =	swait.ge @!p0 [sflag:s3], $0x100  }
0x1a9: {  	[sflag:s3] =	ssyncset.done @!p0 $0x0  }
0x1aa: {  	s5 =	rddreg [dreg:$0x13];
	[sflag:s3] =	ssyncadd.s32 @!p0 $0xFFFFFF00;
	s3 =	simm.s32 @!p0 $0x1C04  }
0x1ab: {  	[hbm:s5], [sflag:s3] =	dma.local @!p0 [spmem:s28], $0x10  }
0x1ac: {  	s3 =	simm.s32 @!p0 $0x4  }
0x1ad: {  	_ =	swait.ge @!p0 [sflag:s3], $0x10  }
0x1ae: {  	[sflag:s3] =	ssyncset.done @!p0 $0x0  }
0x1af: {  	[sflag:s3] =	ssyncadd.s32 @!p0 $0xFFFFFFF0  }
0x1b0: {  	_ =	swait.ge [sflag:s11], $0x2700  }
0x1b1: {  	[sflag:s11] =	ssyncset.done $0x0  }
0x1b2: {  	[sflag:s11] =	ssyncadd.s32 $0xFFFFD900  }
0x1b3: {  	_ =	swait.ge [sflag:s12], $0x270  }
0x1b4: {  	s21 =	sadd.s32 $0x1, s21;
	s29 =	rddreg [dreg:$0x1c]  }
0x1b5: {  	p1 =	sne.s32 s21, s29  }
.Ltmp3:
0x1b6: {  	_ = 	snop;
	(pc) =	sbr.rel @p1 .LBB2_1-.Ltmp3, $3  }
0x1b7: {  	[sflag:s12] =	ssyncset.done $0x0  }
0x1b8: {  	[sflag:s12] =	ssyncadd.s32 $0xFFFFFD90  }
0x1b9: {  	[bflag:$0x0] =	sbarrier.arrive $0xFFFF;
	_ =	sdelay $0x1  }
0x1ba: {  	_ =	sfence.sel $0x180000  }
0x1bb: {  	[bflag:$0x0] =	sbarrier.arrive $0xFFFF  }
0x1bc: {  	_ =	strace $0x90000047  }
0x1bd: {  	[bflag:$0x2] =	sbarrier.arrive $0xFFFF  }
0x1be: {  	s0 =	rddreg [dreg:$0x7]  }
0x1bf: {  	s0 =	sadd.s32 @!p0 $0x100000, s0  }
0x1c0: {  	[sflag:s0] =	ssyncadd.tile.s32 @!p0 $0x1;
	_ =	shalt  }
.Lfunc_end2:
_tile_overlayer_lowered:
.L_overlay_start_2:
0x1c1: {  	(tag) =	ssettag $0x2  }
0x1c2: {  	s0 =	rddreg [dreg:$0x0];
	s2 =	stileid.u32  }
0x1c3: {  	s1 =	rddreg [dreg:$0x1];
	p0 =	sne.s32 s2, $0x0  }
0x1c4: {  	s3 =	rddreg [dreg:$0x2];
	[bflag:$0x3] =	sbarrier.arrive $0xFFFF;
	s2 =	simm.s32 @!p0 $0x1C05  }
0x1c5: {  	[timem:s3], [sflag:s2] =	dma.local @!p0 [hbm:s0], s1  }
0x1c6: {  	s0 =	simm.s32 @!p0 $0x5  }
0x1c7: {  	_ =	swait.ge @!p0 [sflag:s0], s1  }
0x1c8: {  	s1 =	ssub.s32 @!p0 $0x0, s1;
	[sflag:s0] =	ssyncset.done @!p0 $0x0  }
0x1c9: {  	[sflag:s0] =	ssyncadd.s32 @!p0 s1  }
0x1ca: {  	[bflag:$0x3] =	sbarrier.arrive $0xFFFF  }
0x1cb: {  	_ =	shalt  }

</sc_bundles>
